<compile_context>
chip_gen: v7x
topology: tpu7x:2x2x1
jax: 0.10.2.dev20260603
libtpu: 0.0.44.dev20260713+nightly
codegen_flags: <defaults>
</compile_context>

<pallas_src>
import functools

import jax
import jax.numpy as jnp
import numpy as np
from jax import lax
from jax.experimental import pallas as pl
from jax.experimental.pallas import tpu as pltpu
from jax.experimental.pallas import tpu_sc as plsc

DIM = 96
HH = 128
WW = 128
NH = 6
NP = 4
B = 2
HEAD_D = DIM // NH
NQ = HH * WW
ROWS = B * NQ
HROWS = ROWS
NTAP = HROWS * DIM
TAP_ROW = 128
SC_ROWS = NTAP // TAP_ROW
NC, NS = 2, 16
NW = NC * NS
RPW = SC_ROWS // NW


def _build_consts():
    Px = np.zeros((48, 96), np.float32)
    Py = np.zeros((48, 96), np.float32)
    Pa = np.zeros((24, 96), np.float32)
    for h in range(NH):
        for p in range(NP):
            for k in range(4):
                c = h * 16 + p * 4 + k
                Px[h * 8 + p * 2 + 0, c] = 1
                Py[h * 8 + p * 2 + 1, c] = 1
                Pa[h * 4 + p, c] = 1
    G96 = np.zeros((96, 96), np.float32)
    for i in range(96):
        for j in range(96):
            if i // 16 == j // 16:
                G96[i, j] = 0.25
    cols = np.arange(96)
    kx = (cols % 4 % 2).astype(np.float32)[None, :]
    ky = (cols % 4 // 2).astype(np.float32)[None, :]
    hcol = (cols // 16).astype(np.int32)[None, :]
    h = cols // 16
    p = cols % 16 // 4
    cmx = h * 8 + p * 2
    cmy = h * 8 + p * 2 + 1
    cma = h * 4 + p
    return Px, Py, Pa, G96, kx, ky, hcol, cmx, cmy, cma


(_PX, _PY, _PA, _G96, _KX, _KY, _HCOL, _CMX, _CMY, _CMA) = _build_consts()

R1 = 1024


def _stage1_body(q_ref, v_ref, w3_ref, b3_ref, g_ref, wv_ref, bv_ref,
                 kx_ref, ky_ref, hc_ref, idx_ref, wgt_ref, vp_ref):
    q = q_ref[...]
    x3 = jnp.dot(q, w3_ref[...], preferred_element_type=jnp.float32) + b3_ref[...]
    px = x3[:, 0:96] * WW - 0.5
    py = x3[:, 96:192] * HH - 0.5
    lg = x3[:, 192:288]
    m = jnp.max(lg, axis=1, keepdims=True)
    e = jnp.exp(lg - m)
    s = jnp.dot(e, g_ref[...], preferred_element_type=jnp.float32,
                precision=jax.lax.Precision.HIGHEST)
    a96 = e / s
    x0 = jnp.floor(px)
    y0 = jnp.floor(py)
    fx = px - x0
    fy = py - y0
    kx = kx_ref[...]
    ky = ky_ref[...]
    xi = x0 + kx
    yi = y0 + ky
    wx = jnp.where(kx > 0.5, fx, 1.0 - fx)
    wy = jnp.where(ky > 0.5, fy, 1.0 - fy)
    valid = ((xi >= 0) & (xi < 128) & (yi >= 0) & (yi < 128)).astype(jnp.float32)
    wgt_ref[...] = wx * wy * a96 * valid
    xc = jnp.clip(xi, 0, 127).astype(jnp.int32)
    yc = jnp.clip(yi, 0, 127).astype(jnp.int32)
    b = pl.program_id(0) // (NQ // R1)
    idx_ref[...] = (b * (NQ * NH) + (yc * 128 + xc) * NH) + hc_ref[...]
    vp_ref[...] = jnp.dot(v_ref[...], wv_ref[...],
                          preferred_element_type=jnp.float32) + bv_ref[...]


def _stage3_body(x_ref, wo_ref, bo_ref, o_ref):
    o_ref[...] = jnp.dot(x_ref[...], wo_ref[...],
                         preferred_element_type=jnp.float32) + bo_ref[...]


LCH = 64
NCHUNK = RPW // LCH
GR = 8
NGRP = LCH // GR
QH_G = GR * TAP_ROW // 16


def _make_sc_gather():
    mesh = plsc.VectorSubcoreMesh(core_axis_name="c", subcore_axis_name="s")

    @functools.partial(
        pl.kernel,
        out_type=jax.ShapeDtypeStruct((HROWS * NH, HEAD_D), jnp.float32),
        mesh=mesh,
        compiler_params=pltpu.CompilerParams(use_tc_tiling_on_sc=False,
                                             needs_layout_passes=False),
        scratch_types=[
            pltpu.VMEM((LCH, TAP_ROW), jnp.int32),
            pltpu.VMEM((LCH * TAP_ROW,), jnp.float32),
            pltpu.VMEM((GR * TAP_ROW, HEAD_D), jnp.float32),
            pltpu.VMEM((GR * TAP_ROW, HEAD_D), jnp.float32),
            pltpu.VMEM((LCH * TAP_ROW // 16, HEAD_D), jnp.float32),
            pltpu.SemaphoreType.DMA,
        ],
    )
    def sc_gather(tab_hbm, idx_hbm, wgt_hbm, out_hbm,
                  idx_v, wgt_v, buf_a, buf_b, out_v, sem):
        wid = lax.axis_index("s") * NC + lax.axis_index("c")
        lanes = lax.iota(jnp.int32, 16)
        lanes16 = lanes * 16
        cfull = [jnp.full((16,), d, jnp.int32) for d in range(HEAD_D)]

        def fire_group(g, buf):
            for lr in range(GR):
                pltpu.async_copy(
                    tab_hbm.at[idx_v.at[g * GR + lr]],
                    buf.at[pl.ds(lr * TAP_ROW, TAP_ROW)],
                    sem,
                )

        def wait_group(buf):
            pltpu.make_async_copy(
                tab_hbm.at[pl.ds(0, GR * TAP_ROW)], buf, sem).wait()

        def compute_group(g, buf):
            def one_qh(j):
                wv = wgt_v[pl.ds((g * QH_G + j) * 16, 16)]
                prods = [buf[j * 16 + t, :] * wv[t] for t in range(16)]
                while len(prods) > 1:
                    prods = [prods[i] + prods[i + 1]
                             for i in range(0, len(prods), 2)]
                out_v[g * QH_G + j, :] = prods[0]

            def blk(b2, carry):
                one_qh(b2 * 2)
                one_qh(b2 * 2 + 1)
                return carry

            lax.fori_loop(0, QH_G // 2, blk, 0)

        def chunk(c, carry):
            base = wid * RPW + c * LCH
            pltpu.sync_copy(idx_hbm.at[pl.ds(base, LCH)], idx_v)
            pltpu.sync_copy(wgt_hbm.at[pl.ds(base * TAP_ROW, LCH * TAP_ROW)],
                            wgt_v)
            fire_group(0, buf_a)

            def pair(p, carry2):
                g0 = 2 * p
                fire_group(g0 + 1, buf_b)
                wait_group(buf_a)
                compute_group(g0, buf_a)

                @pl.when(g0 + 2 < NGRP)
                def _():
                    fire_group(g0 + 2, buf_a)

                wait_group(buf_b)
                compute_group(g0 + 1, buf_b)
                return carry2

            lax.fori_loop(0, NGRP // 2, pair, 0)
            pltpu.sync_copy(out_v,
                            out_hbm.at[pl.ds(base * (TAP_ROW // 16),
                                             LCH * TAP_ROW // 16)])
            return carry

        lax.fori_loop(0, NCHUNK, chunk, 0)

    return sc_gather


def _half_pipeline(q, v, W3, b3, G96c, Wv, bv2, Wo, bo2, kxc, kyc, hcc, sc_fn):
    grid1 = HROWS // R1
    idx, wgt, vproj = pl.pallas_call(
        _stage1_body,
        grid=(grid1,),
        in_specs=[
            pl.BlockSpec((R1, DIM), lambda i: (i, 0)),
            pl.BlockSpec((R1, DIM), lambda i: (i, 0)),
            pl.BlockSpec((DIM, 288), lambda i: (0, 0)),
            pl.BlockSpec((1, 288), lambda i: (0, 0)),
            pl.BlockSpec((96, 96), lambda i: (0, 0)),
            pl.BlockSpec((DIM, DIM), lambda i: (0, 0)),
            pl.BlockSpec((1, DIM), lambda i: (0, 0)),
            pl.BlockSpec((1, 96), lambda i: (0, 0)),
            pl.BlockSpec((1, 96), lambda i: (0, 0)),
            pl.BlockSpec((1, 96), lambda i: (0, 0)),
        ],
        out_specs=[
            pl.BlockSpec((R1, 96), lambda i: (i, 0)),
            pl.BlockSpec((R1, 96), lambda i: (i, 0)),
            pl.BlockSpec((R1, DIM), lambda i: (i, 0)),
        ],
        out_shape=[
            jax.ShapeDtypeStruct((HROWS, 96), jnp.int32),
            jax.ShapeDtypeStruct((HROWS, 96), jnp.float32),
            jax.ShapeDtypeStruct((HROWS, DIM), jnp.float32),
        ],
    )(q, v, W3, b3, G96c, Wv, bv2, kxc, kyc, hcc)

    tab = vproj.reshape(HROWS * NH, HEAD_D)
    idx_rows = idx.reshape(SC_ROWS, TAP_ROW)
    out16 = sc_fn(tab, idx_rows, wgt.reshape(-1))
    out96 = out16.reshape(HROWS, DIM)

    return pl.pallas_call(
        _stage3_body,
        grid=(grid1,),
        in_specs=[
            pl.BlockSpec((R1, DIM), lambda i: (i, 0)),
            pl.BlockSpec((DIM, DIM), lambda i: (0, 0)),
            pl.BlockSpec((1, DIM), lambda i: (0, 0)),
        ],
        out_specs=pl.BlockSpec((R1, DIM), lambda i: (i, 0)),
        out_shape=jax.ShapeDtypeStruct((HROWS, DIM), jnp.float32),
    )(out96, Wo, bo2)


def kernel(query, value, Ws, bs_, Wa, ba, Wv, bv, Wo, bo):
    q = jnp.transpose(query, (0, 2, 3, 1)).reshape(ROWS, DIM)
    v = jnp.transpose(value, (0, 2, 3, 1)).reshape(ROWS, DIM)

    W3 = jnp.concatenate([Ws[:, _CMX], Ws[:, _CMY], Wa[:, _CMA]], axis=1)
    b3 = jnp.concatenate([bs_[_CMX], bs_[_CMY], ba[_CMA]])[None, :]

    G96c = jnp.asarray(_G96)
    kxc, kyc, hcc = jnp.asarray(_KX), jnp.asarray(_KY), jnp.asarray(_HCOL)
    bv2, bo2 = bv[None, :], bo[None, :]
    sc_fn = _make_sc_gather()
    out = _half_pipeline(q, v, W3, b3, G96c, Wv, bv2, Wo, bo2,
                         kxc, kyc, hcc, sc_fn)
    return out.reshape(B, NQ, DIM)

# --- scband reference (transcript-rebuilt; emitter-appended) ---
"""Pipeline reference for scband-cross-deformable-attention-35201551958440 (READ-ONLY COPY).

The authoritative reference and input builder live on the scoring server;
editing this copy changes nothing except your own understanding.
"""

import jax, jax.numpy as jnp
import numpy as np

DIM = 96; HH = 128; WW = 128; NH = 6; NL = 1; NP = 4; B = 2
HEAD_D = DIM // NH


def _grid_sample(img, grid):
    # img: [N, C, H, W]; grid: [N, Q, P, 2] (x, y) in [-1, 1]
    # bilinear, padding_mode='zeros', align_corners=False (matches F.grid_sample)
    N, C, H, W = img.shape
    x = (grid[..., 0] + 1.0) * W / 2.0 - 0.5
    y = (grid[..., 1] + 1.0) * H / 2.0 - 0.5
    x0 = jnp.floor(x); y0 = jnp.floor(y)
    x1 = x0 + 1.0; y1 = y0 + 1.0
    wx1 = x - x0; wx0 = 1.0 - wx1
    wy1 = y - y0; wy0 = 1.0 - wy1
    flat = img.reshape(N, C, H * W)

    def gather(ix, iy):
        valid = ((ix >= 0) & (ix < W) & (iy >= 0) & (iy < H)).astype(img.dtype)
        ixc = jnp.clip(ix, 0, W - 1).astype(jnp.int32)
        iyc = jnp.clip(iy, 0, H - 1).astype(jnp.int32)
        idx = (iyc * W + ixc).reshape(N, 1, -1)
        vals = jnp.take_along_axis(flat, jnp.broadcast_to(idx, (N, C, idx.shape[-1])), axis=2)
        vals = vals.reshape(N, C, ix.shape[1], ix.shape[2])
        return vals * valid[:, None, :, :]

    out = (gather(x0, y0) * (wx0 * wy0)[:, None]
           + gather(x1, y0) * (wx1 * wy0)[:, None]
           + gather(x0, y1) * (wx0 * wy1)[:, None]
           + gather(x1, y1) * (wx1 * wy1)[:, None])
    return out  # [N, C, Q, P]


def _ms_deform_attn(value, spatial_shapes, sampling_locations, attention_weights):
    # value: [bs, num_keys, num_heads, d]
    bs, num_keys, num_heads, d = value.shape
    _, nq, _, num_levels, num_points, _ = sampling_locations.shape
    grids = 2.0 * sampling_locations - 1.0
    sampled_list = []
    offset = 0
    for lvl, (H_, W_) in enumerate(spatial_shapes):
        v_l = value[:, offset:offset + H_ * W_]
        offset += H_ * W_
        v_l = jnp.transpose(v_l, (0, 2, 3, 1)).reshape(bs * num_heads, d, H_, W_)
        g = jnp.transpose(grids[:, :, :, lvl], (0, 2, 1, 3, 4)).reshape(bs * num_heads, nq, num_points, 2)
        sampled_list.append(_grid_sample(v_l, g))
    sampled = jnp.stack(sampled_list, axis=-2).reshape(bs * num_heads, d, nq, num_levels * num_points)
    attn = jnp.transpose(attention_weights, (0, 2, 1, 3, 4)).reshape(bs * num_heads, 1, nq, num_levels * num_points)
    out = (sampled * attn).sum(-1).reshape(bs, num_heads * d, nq)
    return jnp.transpose(out, (0, 2, 1))  # [bs, nq, num_heads*d]


def setup_inputs(seed: int = 0) -> dict:
    key = jax.random.key(seed)
    ks = jax.random.split(key, 8)
    query = jax.random.normal(ks[0], (B, DIM, WW, HH), dtype=jnp.float32)
    value = jax.random.normal(ks[1], (B, DIM, WW, HH), dtype=jnp.float32)
    Ws = jax.random.normal(ks[2], (DIM, NH * NL * NP * 2), dtype=jnp.float32) * 0.01
    bs_ = jax.random.uniform(ks[3], (NH * NL * NP * 2,), dtype=jnp.float32)
    Wa = jax.random.normal(ks[4], (DIM, NH * NL * NP), dtype=jnp.float32) * 0.02
    ba = jnp.zeros((NH * NL * NP,), dtype=jnp.float32)
    Wv = jax.random.normal(ks[5], (DIM, DIM), dtype=jnp.float32) * (1.0 / np.sqrt(DIM))
    bv = jnp.zeros((DIM,), dtype=jnp.float32)
    Wo = jax.random.normal(ks[6], (DIM, DIM), dtype=jnp.float32) * (1.0 / np.sqrt(DIM))
    bo = jnp.zeros((DIM,), dtype=jnp.float32)
    return {"query": query, "value": value, "Ws": Ws, "bs_": bs_, "Wa": Wa, "ba": ba,
            "Wv": Wv, "bv": bv, "Wo": Wo, "bo": bo}


def reference(query, value, Ws, bs_, Wa, ba, Wv, bv, Wo, bo):
    b, c, w, h = query.shape
    nq = w * h
    q = jnp.transpose(query, (0, 2, 3, 1)).reshape(b, nq, c)
    v = jnp.transpose(value, (0, 2, 3, 1)).reshape(b, nq, c)
    sampling_locations = (q @ Ws + bs_).reshape(b, nq, NH, NL, NP, 2)
    attn = (q @ Wa + ba).reshape(b, nq, NH, NL * NP)
    attn = jax.nn.softmax(attn, axis=-1).reshape(b, nq, NH, NL, NP)
    v = (v @ Wv + bv).reshape(b, nq, NH, HEAD_D)
    out = _ms_deform_attn(v, [(HH, WW)], sampling_locations, attn)
    out = out @ Wo + bo
    return out

if __name__ == "__main__":
    import jax
    _d = setup_inputs()
    print(jax.jit(kernel)(*tuple(_d.values())))

</pallas_src>

<mosaic_0001>
#map = affine_map<(d0, d1) -> (0, 0)>
#map1 = affine_map<(d0, d1) -> (0)>
module attributes {stable_mosaic.version = 14 : i64} {
  func.func @sc_gather(%arg0: i32, %arg1: i32, %arg2: memref<196608x16xf32, #tpu.memory_space<hbm>>, %arg3: memref<24576x128xi32, #tpu.memory_space<hbm>>, %arg4: memref<3145728xf32, #tpu.memory_space<hbm>>, %arg5: memref<196608x16xf32, #tpu.memory_space<hbm>>, %arg6: memref<64x128xi32, #tpu.memory_space<vmem>>, %arg7: memref<8192xf32, #tpu.memory_space<vmem>>, %arg8: memref<1024x16xf32, #tpu.memory_space<vmem>>, %arg9: memref<1024x16xf32, #tpu.memory_space<vmem>>, %arg10: memref<512x16xf32, #tpu.memory_space<vmem>>, %arg11: memref<!tpu.dma_semaphore, #tpu.memory_space<semaphore_mem>>) attributes {dimension_semantics = [#tpu.dimension_semantics<core_parallel>, #tpu.dimension_semantics<subcore_parallel>], iteration_bounds = array<i64: 2, 16>, scalar_prefetch = 0 : i64, scratch_operands = 6 : i64, tpu.core_type = #tpu.core_type<sc_vector_subcore>, window_params = [{transform_indices = #map}, {transform_indices = #map}, {transform_indices = #map1}, {transform_indices = #map}]} {
    %mul3A = arith.constant 2 : i32
    %mul3A_0 = arith.muli %arg1, %mul3A : i32
    %add3A = arith.addi %mul3A_0, %arg0 : i32
    %iota3A = tpu.iota {dimensions = array<i32: 0>} : vector<16xi32>
    %mul3A_1 = arith.constant 16 : i32
    %mul3A_2 = vector.broadcast %mul3A_1 : i32 to vector<16xi32>
    %mul3A_3 = arith.muli %iota3A, %mul3A_2 : vector<16xi32>
    %broadcast_in_dim3A = arith.constant 0 : i32
    %broadcast_in_dim3A_4 = vector.broadcast %broadcast_in_dim3A : i32 to vector<16xi32>
    %broadcast_in_dim3A_5 = arith.constant 1 : i32
    %broadcast_in_dim3A_6 = vector.broadcast %broadcast_in_dim3A_5 : i32 to vector<16xi32>
    %broadcast_in_dim3A_7 = arith.constant 2 : i32
    %broadcast_in_dim3A_8 = vector.broadcast %broadcast_in_dim3A_7 : i32 to vector<16xi32>
    %broadcast_in_dim3A_9 = arith.constant 3 : i32
    %broadcast_in_dim3A_10 = vector.broadcast %broadcast_in_dim3A_9 : i32 to vector<16xi32>
    %broadcast_in_dim3A_11 = arith.constant 4 : i32
    %broadcast_in_dim3A_12 = vector.broadcast %broadcast_in_dim3A_11 : i32 to vector<16xi32>
    %broadcast_in_dim3A_13 = arith.constant 5 : i32
    %broadcast_in_dim3A_14 = vector.broadcast %broadcast_in_dim3A_13 : i32 to vector<16xi32>
    %broadcast_in_dim3A_15 = arith.constant 6 : i32
    %broadcast_in_dim3A_16 = vector.broadcast %broadcast_in_dim3A_15 : i32 to vector<16xi32>
    %broadcast_in_dim3A_17 = arith.constant 7 : i32
    %broadcast_in_dim3A_18 = vector.broadcast %broadcast_in_dim3A_17 : i32 to vector<16xi32>
    %broadcast_in_dim3A_19 = arith.constant 8 : i32
    %broadcast_in_dim3A_20 = vector.broadcast %broadcast_in_dim3A_19 : i32 to vector<16xi32>
    %broadcast_in_dim3A_21 = arith.constant 9 : i32
    %broadcast_in_dim3A_22 = vector.broadcast %broadcast_in_dim3A_21 : i32 to vector<16xi32>
    %broadcast_in_dim3A_23 = arith.constant 10 : i32
    %broadcast_in_dim3A_24 = vector.broadcast %broadcast_in_dim3A_23 : i32 to vector<16xi32>
    %broadcast_in_dim3A_25 = arith.constant 11 : i32
    %broadcast_in_dim3A_26 = vector.broadcast %broadcast_in_dim3A_25 : i32 to vector<16xi32>
    %broadcast_in_dim3A_27 = arith.constant 12 : i32
    %broadcast_in_dim3A_28 = vector.broadcast %broadcast_in_dim3A_27 : i32 to vector<16xi32>
    %broadcast_in_dim3A_29 = arith.constant 13 : i32
    %broadcast_in_dim3A_30 = vector.broadcast %broadcast_in_dim3A_29 : i32 to vector<16xi32>
    %broadcast_in_dim3A_31 = arith.constant 14 : i32
    %broadcast_in_dim3A_32 = vector.broadcast %broadcast_in_dim3A_31 : i32 to vector<16xi32>
    %broadcast_in_dim3A_33 = arith.constant 15 : i32
    %broadcast_in_dim3A_34 = vector.broadcast %broadcast_in_dim3A_33 : i32 to vector<16xi32>
    %scan3A = arith.constant 0 : i32
    %scan3A_35 = arith.constant 0 : i32
    %scan3A_36 = arith.constant 12 : i32
    %scan3A_37 = arith.addi %scan3A_35, %scan3A_36 : i32
    %scan3A_38 = arith.constant 1 : i32
    scf.for %scan3A_40 = %scan3A_35 to %scan3A_37 step %scan3A_38  : i32 {
      %mul3A_41 = arith.constant 768 : i32
      %mul3A_42 = arith.muli %add3A, %mul3A_41 : i32
      %mul3A_43 = arith.constant 64 : i32
      %mul3A_44 = arith.muli %scan3A_40, %mul3A_43 : i32
      %add3A_45 = arith.addi %mul3A_42, %mul3A_44 : i32
      "tpu.region"() ({
        %run_scoped3A = tpu.sem_alloc : memref<!tpu.dma_semaphore, #tpu.memory_space<semaphore_mem>>
        %dma_start3A_135 = arith.constant 0 : i32
        %dma_start3A_136 = tpu.memref_slice %arg3[%add3A_45, %dma_start3A_135] : memref<24576x128xi32, #tpu.memory_space<hbm>> -> memref<64x128xi32, #tpu.memory_space<hbm>>
        %dma_start3A_137 = arith.constant 0 : i32
        %dma_start3A_138 = tpu.memref_slice %arg3[%add3A_45, %dma_start3A_137] : memref<24576x128xi32, #tpu.memory_space<hbm>> -> memref<64x128xi32, #tpu.memory_space<hbm>>
        tpu.enqueue_dma source(%dma_start3A_138 : memref<64x128xi32, #tpu.memory_space<hbm>>) target(%arg6 : memref<64x128xi32, #tpu.memory_space<vmem>>) target_semaphore(%run_scoped3A : memref<!tpu.dma_semaphore, #tpu.memory_space<semaphore_mem>>)
        %dma_wait3A = arith.constant 0 : i32
        %dma_wait3A_139 = tpu.memref_slice %arg3[%add3A_45, %dma_wait3A] : memref<24576x128xi32, #tpu.memory_space<hbm>> -> memref<64x128xi32, #tpu.memory_space<hbm>>
        %dma_wait3A_140 = arith.constant 0 : i32
        %dma_wait3A_141 = tpu.memref_slice %arg3[%add3A_45, %dma_wait3A_140] : memref<24576x128xi32, #tpu.memory_space<hbm>> -> memref<64x128xi32, #tpu.memory_space<hbm>>
        tpu.wait_dma2 semaphore(%run_scoped3A : memref<!tpu.dma_semaphore, #tpu.memory_space<semaphore_mem>>) src(%dma_wait3A_141 : memref<64x128xi32, #tpu.memory_space<hbm>>) dst(%arg6 : memref<64x128xi32, #tpu.memory_space<vmem>>)
        tpu.yield
      }) : () -> ()
      %mul3A_46 = arith.constant 128 : i32
      %mul3A_47 = arith.muli %add3A_45, %mul3A_46 : i32
      "tpu.region"() ({
        %run_scoped3A = tpu.sem_alloc : memref<!tpu.dma_semaphore, #tpu.memory_space<semaphore_mem>>
        %dma_start3A_135 = tpu.memref_slice %arg4[%mul3A_47] : memref<3145728xf32, #tpu.memory_space<hbm>> -> memref<8192xf32, #tpu.memory_space<hbm>>
        %dma_start3A_136 = tpu.memref_slice %arg4[%mul3A_47] : memref<3145728xf32, #tpu.memory_space<hbm>> -> memref<8192xf32, #tpu.memory_space<hbm>>
        tpu.enqueue_dma source(%dma_start3A_136 : memref<8192xf32, #tpu.memory_space<hbm>>) target(%arg7 : memref<8192xf32, #tpu.memory_space<vmem>>) target_semaphore(%run_scoped3A : memref<!tpu.dma_semaphore, #tpu.memory_space<semaphore_mem>>)
        %dma_wait3A = tpu.memref_slice %arg4[%mul3A_47] : memref<3145728xf32, #tpu.memory_space<hbm>> -> memref<8192xf32, #tpu.memory_space<hbm>>
        %dma_wait3A_137 = tpu.memref_slice %arg4[%mul3A_47] : memref<3145728xf32, #tpu.memory_space<hbm>> -> memref<8192xf32, #tpu.memory_space<hbm>>
        tpu.wait_dma2 semaphore(%run_scoped3A : memref<!tpu.dma_semaphore, #tpu.memory_space<semaphore_mem>>) src(%dma_wait3A_137 : memref<8192xf32, #tpu.memory_space<hbm>>) dst(%arg7 : memref<8192xf32, #tpu.memory_space<vmem>>)
        tpu.yield
      }) : () -> ()
      %dma_start3A = arith.constant 0 : i32
      %dma_start3A_48 = arith.constant 0 : i32
      %dma_start3A_49 = arith.constant 0 : i32
      %dma_start3A_50 = tpu.memref_slice %arg8[%dma_start3A_48, %dma_start3A_49] : memref<1024x16xf32, #tpu.memory_space<vmem>> -> memref<128x16xf32, #tpu.memory_space<vmem>>
      %dma_start3A_51 = arith.constant 0 : i32
      %dma_start3A_52 = tpu.memref_slice %arg6[%dma_start3A, %dma_start3A_51] : memref<64x128xi32, #tpu.memory_space<vmem>> -> memref<1x128xi32, #tpu.memory_space<vmem>>
      %dma_start3A_53 = tpu.memref_squeeze %dma_start3A_52 : memref<1x128xi32, #tpu.memory_space<vmem>> -> memref<128xi32, #tpu.memory_space<vmem>>
      %dma_start3A_54 = arith.constant 0 : i32
      %dma_start3A_55 = arith.constant 0 : i32
      %dma_start3A_56 = tpu.memref_slice %arg2[%dma_start3A_54, %dma_start3A_55] : memref<196608x16xf32, #tpu.memory_space<hbm>> -> memref<196608x16xf32, #tpu.memory_space<hbm>>
      tpu.enqueue_indirect_dma source(%dma_start3A_56 : memref<196608x16xf32, #tpu.memory_space<hbm>>) target(%dma_start3A_50 : memref<128x16xf32, #tpu.memory_space<vmem>>) offsets(%dma_start3A_53 : memref<128xi32, #tpu.memory_space<vmem>>) semaphore(%arg11 : memref<!tpu.dma_semaphore, #tpu.memory_space<semaphore_mem>>)
      %dma_start3A_57 = arith.constant 1 : i32
      %dma_start3A_58 = arith.constant 128 : i32
      %dma_start3A_59 = arith.constant 0 : i32
      %dma_start3A_60 = tpu.memref_slice %arg8[%dma_start3A_58, %dma_start3A_59] : memref<1024x16xf32, #tpu.memory_space<vmem>> -> memref<128x16xf32, #tpu.memory_space<vmem>>
      %dma_start3A_61 = arith.constant 0 : i32
      %dma_start3A_62 = tpu.memref_slice %arg6[%dma_start3A_57, %dma_start3A_61] : memref<64x128xi32, #tpu.memory_space<vmem>> -> memref<1x128xi32, #tpu.memory_space<vmem>>
      %dma_start3A_63 = tpu.memref_squeeze %dma_start3A_62 : memref<1x128xi32, #tpu.memory_space<vmem>> -> memref<128xi32, #tpu.memory_space<vmem>>
      %dma_start3A_64 = arith.constant 0 : i32
      %dma_start3A_65 = arith.constant 0 : i32
      %dma_start3A_66 = tpu.memref_slice %arg2[%dma_start3A_64, %dma_start3A_65] : memref<196608x16xf32, #tpu.memory_space<hbm>> -> memref<196608x16xf32, #tpu.memory_space<hbm>>
      tpu.enqueue_indirect_dma source(%dma_start3A_66 : memref<196608x16xf32, #tpu.memory_space<hbm>>) target(%dma_start3A_60 : memref<128x16xf32, #tpu.memory_space<vmem>>) offsets(%dma_start3A_63 : memref<128xi32, #tpu.memory_space<vmem>>) semaphore(%arg11 : memref<!tpu.dma_semaphore, #tpu.memory_space<semaphore_mem>>)
      %dma_start3A_67 = arith.constant 2 : i32
      %dma_start3A_68 = arith.constant 256 : i32
      %dma_start3A_69 = arith.constant 0 : i32
      %dma_start3A_70 = tpu.memref_slice %arg8[%dma_start3A_68, %dma_start3A_69] : memref<1024x16xf32, #tpu.memory_space<vmem>> -> memref<128x16xf32, #tpu.memory_space<vmem>>
      %dma_start3A_71 = arith.constant 0 : i32
      %dma_start3A_72 = tpu.memref_slice %arg6[%dma_start3A_67, %dma_start3A_71] : memref<64x128xi32, #tpu.memory_space<vmem>> -> memref<1x128xi32, #tpu.memory_space<vmem>>
      %dma_start3A_73 = tpu.memref_squeeze %dma_start3A_72 : memref<1x128xi32, #tpu.memory_space<vmem>> -> memref<128xi32, #tpu.memory_space<vmem>>
      %dma_start3A_74 = arith.constant 0 : i32
      %dma_start3A_75 = arith.constant 0 : i32
      %dma_start3A_76 = tpu.memref_slice %arg2[%dma_start3A_74, %dma_start3A_75] : memref<196608x16xf32, #tpu.memory_space<hbm>> -> memref<196608x16xf32, #tpu.memory_space<hbm>>
      tpu.enqueue_indirect_dma source(%dma_start3A_76 : memref<196608x16xf32, #tpu.memory_space<hbm>>) target(%dma_start3A_70 : memref<128x16xf32, #tpu.memory_space<vmem>>) offsets(%dma_start3A_73 : memref<128xi32, #tpu.memory_space<vmem>>) semaphore(%arg11 : memref<!tpu.dma_semaphore, #tpu.memory_space<semaphore_mem>>)
      %dma_start3A_77 = arith.constant 3 : i32
      %dma_start3A_78 = arith.constant 384 : i32
      %dma_start3A_79 = arith.constant 0 : i32
      %dma_start3A_80 = tpu.memref_slice %arg8[%dma_start3A_78, %dma_start3A_79] : memref<1024x16xf32, #tpu.memory_space<vmem>> -> memref<128x16xf32, #tpu.memory_space<vmem>>
      %dma_start3A_81 = arith.constant 0 : i32
      %dma_start3A_82 = tpu.memref_slice %arg6[%dma_start3A_77, %dma_start3A_81] : memref<64x128xi32, #tpu.memory_space<vmem>> -> memref<1x128xi32, #tpu.memory_space<vmem>>
      %dma_start3A_83 = tpu.memref_squeeze %dma_start3A_82 : memref<1x128xi32, #tpu.memory_space<vmem>> -> memref<128xi32, #tpu.memory_space<vmem>>
      %dma_start3A_84 = arith.constant 0 : i32
      %dma_start3A_85 = arith.constant 0 : i32
      %dma_start3A_86 = tpu.memref_slice %arg2[%dma_start3A_84, %dma_start3A_85] : memref<196608x16xf32, #tpu.memory_space<hbm>> -> memref<196608x16xf32, #tpu.memory_space<hbm>>
      tpu.enqueue_indirect_dma source(%dma_start3A_86 : memref<196608x16xf32, #tpu.memory_space<hbm>>) target(%dma_start3A_80 : memref<128x16xf32, #tpu.memory_space<vmem>>) offsets(%dma_start3A_83 : memref<128xi32, #tpu.memory_space<vmem>>) semaphore(%arg11 : memref<!tpu.dma_semaphore, #tpu.memory_space<semaphore_mem>>)
      %dma_start3A_87 = arith.constant 4 : i32
      %dma_start3A_88 = arith.constant 512 : i32
      %dma_start3A_89 = arith.constant 0 : i32
      %dma_start3A_90 = tpu.memref_slice %arg8[%dma_start3A_88, %dma_start3A_89] : memref<1024x16xf32, #tpu.memory_space<vmem>> -> memref<128x16xf32, #tpu.memory_space<vmem>>
      %dma_start3A_91 = arith.constant 0 : i32
      %dma_start3A_92 = tpu.memref_slice %arg6[%dma_start3A_87, %dma_start3A_91] : memref<64x128xi32, #tpu.memory_space<vmem>> -> memref<1x128xi32, #tpu.memory_space<vmem>>
      %dma_start3A_93 = tpu.memref_squeeze %dma_start3A_92 : memref<1x128xi32, #tpu.memory_space<vmem>> -> memref<128xi32, #tpu.memory_space<vmem>>
      %dma_start3A_94 = arith.constant 0 : i32
      %dma_start3A_95 = arith.constant 0 : i32
      %dma_start3A_96 = tpu.memref_slice %arg2[%dma_start3A_94, %dma_start3A_95] : memref<196608x16xf32, #tpu.memory_space<hbm>> -> memref<196608x16xf32, #tpu.memory_space<hbm>>
      tpu.enqueue_indirect_dma source(%dma_start3A_96 : memref<196608x16xf32, #tpu.memory_space<hbm>>) target(%dma_start3A_90 : memref<128x16xf32, #tpu.memory_space<vmem>>) offsets(%dma_start3A_93 : memref<128xi32, #tpu.memory_space<vmem>>) semaphore(%arg11 : memref<!tpu.dma_semaphore, #tpu.memory_space<semaphore_mem>>)
      %dma_start3A_97 = arith.constant 5 : i32
      %dma_start3A_98 = arith.constant 640 : i32
      %dma_start3A_99 = arith.constant 0 : i32
      %dma_start3A_100 = tpu.memref_slice %arg8[%dma_start3A_98, %dma_start3A_99] : memref<1024x16xf32, #tpu.memory_space<vmem>> -> memref<128x16xf32, #tpu.memory_space<vmem>>
      %dma_start3A_101 = arith.constant 0 : i32
      %dma_start3A_102 = tpu.memref_slice %arg6[%dma_start3A_97, %dma_start3A_101] : memref<64x128xi32, #tpu.memory_space<vmem>> -> memref<1x128xi32, #tpu.memory_space<vmem>>
      %dma_start3A_103 = tpu.memref_squeeze %dma_start3A_102 : memref<1x128xi32, #tpu.memory_space<vmem>> -> memref<128xi32, #tpu.memory_space<vmem>>
      %dma_start3A_104 = arith.constant 0 : i32
      %dma_start3A_105 = arith.constant 0 : i32
      %dma_start3A_106 = tpu.memref_slice %arg2[%dma_start3A_104, %dma_start3A_105] : memref<196608x16xf32, #tpu.memory_space<hbm>> -> memref<196608x16xf32, #tpu.memory_space<hbm>>
      tpu.enqueue_indirect_dma source(%dma_start3A_106 : memref<196608x16xf32, #tpu.memory_space<hbm>>) target(%dma_start3A_100 : memref<128x16xf32, #tpu.memory_space<vmem>>) offsets(%dma_start3A_103 : memref<128xi32, #tpu.memory_space<vmem>>) semaphore(%arg11 : memref<!tpu.dma_semaphore, #tpu.memory_space<semaphore_mem>>)
      %dma_start3A_107 = arith.constant 6 : i32
      %dma_start3A_108 = arith.constant 768 : i32
      %dma_start3A_109 = arith.constant 0 : i32
      %dma_start3A_110 = tpu.memref_slice %arg8[%dma_start3A_108, %dma_start3A_109] : memref<1024x16xf32, #tpu.memory_space<vmem>> -> memref<128x16xf32, #tpu.memory_space<vmem>>
      %dma_start3A_111 = arith.constant 0 : i32
      %dma_start3A_112 = tpu.memref_slice %arg6[%dma_start3A_107, %dma_start3A_111] : memref<64x128xi32, #tpu.memory_space<vmem>> -> memref<1x128xi32, #tpu.memory_space<vmem>>
      %dma_start3A_113 = tpu.memref_squeeze %dma_start3A_112 : memref<1x128xi32, #tpu.memory_space<vmem>> -> memref<128xi32, #tpu.memory_space<vmem>>
      %dma_start3A_114 = arith.constant 0 : i32
      %dma_start3A_115 = arith.constant 0 : i32
      %dma_start3A_116 = tpu.memref_slice %arg2[%dma_start3A_114, %dma_start3A_115] : memref<196608x16xf32, #tpu.memory_space<hbm>> -> memref<196608x16xf32, #tpu.memory_space<hbm>>
      tpu.enqueue_indirect_dma source(%dma_start3A_116 : memref<196608x16xf32, #tpu.memory_space<hbm>>) target(%dma_start3A_110 : memref<128x16xf32, #tpu.memory_space<vmem>>) offsets(%dma_start3A_113 : memref<128xi32, #tpu.memory_space<vmem>>) semaphore(%arg11 : memref<!tpu.dma_semaphore, #tpu.memory_space<semaphore_mem>>)
      %dma_start3A_117 = arith.constant 7 : i32
      %dma_start3A_118 = arith.constant 896 : i32
      %dma_start3A_119 = arith.constant 0 : i32
      %dma_start3A_120 = tpu.memref_slice %arg8[%dma_start3A_118, %dma_start3A_119] : memref<1024x16xf32, #tpu.memory_space<vmem>> -> memref<128x16xf32, #tpu.memory_space<vmem>>
      %dma_start3A_121 = arith.constant 0 : i32
      %dma_start3A_122 = tpu.memref_slice %arg6[%dma_start3A_117, %dma_start3A_121] : memref<64x128xi32, #tpu.memory_space<vmem>> -> memref<1x128xi32, #tpu.memory_space<vmem>>
      %dma_start3A_123 = tpu.memref_squeeze %dma_start3A_122 : memref<1x128xi32, #tpu.memory_space<vmem>> -> memref<128xi32, #tpu.memory_space<vmem>>
      %dma_start3A_124 = arith.constant 0 : i32
      %dma_start3A_125 = arith.constant 0 : i32
      %dma_start3A_126 = tpu.memref_slice %arg2[%dma_start3A_124, %dma_start3A_125] : memref<196608x16xf32, #tpu.memory_space<hbm>> -> memref<196608x16xf32, #tpu.memory_space<hbm>>
      tpu.enqueue_indirect_dma source(%dma_start3A_126 : memref<196608x16xf32, #tpu.memory_space<hbm>>) target(%dma_start3A_120 : memref<128x16xf32, #tpu.memory_space<vmem>>) offsets(%dma_start3A_123 : memref<128xi32, #tpu.memory_space<vmem>>) semaphore(%arg11 : memref<!tpu.dma_semaphore, #tpu.memory_space<semaphore_mem>>)
      %scan3A_127 = arith.constant 0 : i32
      %scan3A_128 = arith.constant 0 : i32
      %scan3A_129 = arith.constant 4 : i32
      %scan3A_130 = arith.addi %scan3A_128, %scan3A_129 : i32
      %scan3A_131 = arith.constant 1 : i32
      scf.for %scan3A_135 = %scan3A_128 to %scan3A_130 step %scan3A_131  : i32 {
        %mul3A_136 = arith.constant 2 : i32
        %mul3A_137 = arith.muli %mul3A_136, %scan3A_135 : i32
        %add3A_138 = arith.constant 1 : i32
        %add3A_139 = arith.addi %mul3A_137, %add3A_138 : i32
        %mul3A_140 = arith.constant 8 : i32
        %mul3A_141 = arith.muli %add3A_139, %mul3A_140 : i32
        %add3A_142 = arith.constant 0 : i32
        %add3A_143 = arith.addi %mul3A_141, %add3A_142 : i32
        %dma_start3A_144 = arith.constant 0 : i32
        %dma_start3A_145 = arith.constant 0 : i32
        %dma_start3A_146 = tpu.memref_slice %arg9[%dma_start3A_144, %dma_start3A_145] : memref<1024x16xf32, #tpu.memory_space<vmem>> -> memref<128x16xf32, #tpu.memory_space<vmem>>
        %dma_start3A_147 = arith.constant 0 : i32
        %dma_start3A_148 = tpu.memref_slice %arg6[%add3A_143, %dma_start3A_147] : memref<64x128xi32, #tpu.memory_space<vmem>> -> memref<1x128xi32, #tpu.memory_space<vmem>>
        %dma_start3A_149 = tpu.memref_squeeze %dma_start3A_148 : memref<1x128xi32, #tpu.memory_space<vmem>> -> memref<128xi32, #tpu.memory_space<vmem>>
        %dma_start3A_150 = arith.constant 0 : i32
        %dma_start3A_151 = arith.constant 0 : i32
        %dma_start3A_152 = tpu.memref_slice %arg2[%dma_start3A_150, %dma_start3A_151] : memref<196608x16xf32, #tpu.memory_space<hbm>> -> memref<196608x16xf32, #tpu.memory_space<hbm>>
        tpu.enqueue_indirect_dma source(%dma_start3A_152 : memref<196608x16xf32, #tpu.memory_space<hbm>>) target(%dma_start3A_146 : memref<128x16xf32, #tpu.memory_space<vmem>>) offsets(%dma_start3A_149 : memref<128xi32, #tpu.memory_space<vmem>>) semaphore(%arg11 : memref<!tpu.dma_semaphore, #tpu.memory_space<semaphore_mem>>)
        %mul3A_153 = arith.constant 8 : i32
        %mul3A_154 = arith.muli %add3A_139, %mul3A_153 : i32
        %add3A_155 = arith.constant 1 : i32
        %add3A_156 = arith.addi %mul3A_154, %add3A_155 : i32
        %dma_start3A_157 = arith.constant 128 : i32
        %dma_start3A_158 = arith.constant 0 : i32
        %dma_start3A_159 = tpu.memref_slice %arg9[%dma_start3A_157, %dma_start3A_158] : memref<1024x16xf32, #tpu.memory_space<vmem>> -> memref<128x16xf32, #tpu.memory_space<vmem>>
        %dma_start3A_160 = arith.constant 0 : i32
        %dma_start3A_161 = tpu.memref_slice %arg6[%add3A_156, %dma_start3A_160] : memref<64x128xi32, #tpu.memory_space<vmem>> -> memref<1x128xi32, #tpu.memory_space<vmem>>
        %dma_start3A_162 = tpu.memref_squeeze %dma_start3A_161 : memref<1x128xi32, #tpu.memory_space<vmem>> -> memref<128xi32, #tpu.memory_space<vmem>>
        %dma_start3A_163 = arith.constant 0 : i32
        %dma_start3A_164 = arith.constant 0 : i32
        %dma_start3A_165 = tpu.memref_slice %arg2[%dma_start3A_163, %dma_start3A_164] : memref<196608x16xf32, #tpu.memory_space<hbm>> -> memref<196608x16xf32, #tpu.memory_space<hbm>>
        tpu.enqueue_indirect_dma source(%dma_start3A_165 : memref<196608x16xf32, #tpu.memory_space<hbm>>) target(%dma_start3A_159 : memref<128x16xf32, #tpu.memory_space<vmem>>) offsets(%dma_start3A_162 : memref<128xi32, #tpu.memory_space<vmem>>) semaphore(%arg11 : memref<!tpu.dma_semaphore, #tpu.memory_space<semaphore_mem>>)
        %mul3A_166 = arith.constant 8 : i32
        %mul3A_167 = arith.muli %add3A_139, %mul3A_166 : i32
        %add3A_168 = arith.constant 2 : i32
        %add3A_169 = arith.addi %mul3A_167, %add3A_168 : i32
        %dma_start3A_170 = arith.constant 256 : i32
        %dma_start3A_171 = arith.constant 0 : i32
        %dma_start3A_172 = tpu.memref_slice %arg9[%dma_start3A_170, %dma_start3A_171] : memref<1024x16xf32, #tpu.memory_space<vmem>> -> memref<128x16xf32, #tpu.memory_space<vmem>>
        %dma_start3A_173 = arith.constant 0 : i32
        %dma_start3A_174 = tpu.memref_slice %arg6[%add3A_169, %dma_start3A_173] : memref<64x128xi32, #tpu.memory_space<vmem>> -> memref<1x128xi32, #tpu.memory_space<vmem>>
        %dma_start3A_175 = tpu.memref_squeeze %dma_start3A_174 : memref<1x128xi32, #tpu.memory_space<vmem>> -> memref<128xi32, #tpu.memory_space<vmem>>
        %dma_start3A_176 = arith.constant 0 : i32
        %dma_start3A_177 = arith.constant 0 : i32
        %dma_start3A_178 = tpu.memref_slice %arg2[%dma_start3A_176, %dma_start3A_177] : memref<196608x16xf32, #tpu.memory_space<hbm>> -> memref<196608x16xf32, #tpu.memory_space<hbm>>
        tpu.enqueue_indirect_dma source(%dma_start3A_178 : memref<196608x16xf32, #tpu.memory_space<hbm>>) target(%dma_start3A_172 : memref<128x16xf32, #tpu.memory_space<vmem>>) offsets(%dma_start3A_175 : memref<128xi32, #tpu.memory_space<vmem>>) semaphore(%arg11 : memref<!tpu.dma_semaphore, #tpu.memory_space<semaphore_mem>>)
        %mul3A_179 = arith.constant 8 : i32
        %mul3A_180 = arith.muli %add3A_139, %mul3A_179 : i32
        %add3A_181 = arith.constant 3 : i32
        %add3A_182 = arith.addi %mul3A_180, %add3A_181 : i32
        %dma_start3A_183 = arith.constant 384 : i32
        %dma_start3A_184 = arith.constant 0 : i32
        %dma_start3A_185 = tpu.memref_slice %arg9[%dma_start3A_183, %dma_start3A_184] : memref<1024x16xf32, #tpu.memory_space<vmem>> -> memref<128x16xf32, #tpu.memory_space<vmem>>
        %dma_start3A_186 = arith.constant 0 : i32
        %dma_start3A_187 = tpu.memref_slice %arg6[%add3A_182, %dma_start3A_186] : memref<64x128xi32, #tpu.memory_space<vmem>> -> memref<1x128xi32, #tpu.memory_space<vmem>>
        %dma_start3A_188 = tpu.memref_squeeze %dma_start3A_187 : memref<1x128xi32, #tpu.memory_space<vmem>> -> memref<128xi32, #tpu.memory_space<vmem>>
        %dma_start3A_189 = arith.constant 0 : i32
        %dma_start3A_190 = arith.constant 0 : i32
        %dma_start3A_191 = tpu.memref_slice %arg2[%dma_start3A_189, %dma_start3A_190] : memref<196608x16xf32, #tpu.memory_space<hbm>> -> memref<196608x16xf32, #tpu.memory_space<hbm>>
        tpu.enqueue_indirect_dma source(%dma_start3A_191 : memref<196608x16xf32, #tpu.memory_space<hbm>>) target(%dma_start3A_185 : memref<128x16xf32, #tpu.memory_space<vmem>>) offsets(%dma_start3A_188 : memref<128xi32, #tpu.memory_space<vmem>>) semaphore(%arg11 : memref<!tpu.dma_semaphore, #tpu.memory_space<semaphore_mem>>)
        %mul3A_192 = arith.constant 8 : i32
        %mul3A_193 = arith.muli %add3A_139, %mul3A_192 : i32
        %add3A_194 = arith.constant 4 : i32
        %add3A_195 = arith.addi %mul3A_193, %add3A_194 : i32
        %dma_start3A_196 = arith.constant 512 : i32
        %dma_start3A_197 = arith.constant 0 : i32
        %dma_start3A_198 = tpu.memref_slice %arg9[%dma_start3A_196, %dma_start3A_197] : memref<1024x16xf32, #tpu.memory_space<vmem>> -> memref<128x16xf32, #tpu.memory_space<vmem>>
        %dma_start3A_199 = arith.constant 0 : i32
        %dma_start3A_200 = tpu.memref_slice %arg6[%add3A_195, %dma_start3A_199] : memref<64x128xi32, #tpu.memory_space<vmem>> -> memref<1x128xi32, #tpu.memory_space<vmem>>
        %dma_start3A_201 = tpu.memref_squeeze %dma_start3A_200 : memref<1x128xi32, #tpu.memory_space<vmem>> -> memref<128xi32, #tpu.memory_space<vmem>>
        %dma_start3A_202 = arith.constant 0 : i32
        %dma_start3A_203 = arith.constant 0 : i32
        %dma_start3A_204 = tpu.memref_slice %arg2[%dma_start3A_202, %dma_start3A_203] : memref<196608x16xf32, #tpu.memory_space<hbm>> -> memref<196608x16xf32, #tpu.memory_space<hbm>>
        tpu.enqueue_indirect_dma source(%dma_start3A_204 : memref<196608x16xf32, #tpu.memory_space<hbm>>) target(%dma_start3A_198 : memref<128x16xf32, #tpu.memory_space<vmem>>) offsets(%dma_start3A_201 : memref<128xi32, #tpu.memory_space<vmem>>) semaphore(%arg11 : memref<!tpu.dma_semaphore, #tpu.memory_space<semaphore_mem>>)
        %mul3A_205 = arith.constant 8 : i32
        %mul3A_206 = arith.muli %add3A_139, %mul3A_205 : i32
        %add3A_207 = arith.constant 5 : i32
        %add3A_208 = arith.addi %mul3A_206, %add3A_207 : i32
        %dma_start3A_209 = arith.constant 640 : i32
        %dma_start3A_210 = arith.constant 0 : i32
        %dma_start3A_211 = tpu.memref_slice %arg9[%dma_start3A_209, %dma_start3A_210] : memref<1024x16xf32, #tpu.memory_space<vmem>> -> memref<128x16xf32, #tpu.memory_space<vmem>>
        %dma_start3A_212 = arith.constant 0 : i32
        %dma_start3A_213 = tpu.memref_slice %arg6[%add3A_208, %dma_start3A_212] : memref<64x128xi32, #tpu.memory_space<vmem>> -> memref<1x128xi32, #tpu.memory_space<vmem>>
        %dma_start3A_214 = tpu.memref_squeeze %dma_start3A_213 : memref<1x128xi32, #tpu.memory_space<vmem>> -> memref<128xi32, #tpu.memory_space<vmem>>
        %dma_start3A_215 = arith.constant 0 : i32
        %dma_start3A_216 = arith.constant 0 : i32
        %dma_start3A_217 = tpu.memref_slice %arg2[%dma_start3A_215, %dma_start3A_216] : memref<196608x16xf32, #tpu.memory_space<hbm>> -> memref<196608x16xf32, #tpu.memory_space<hbm>>
        tpu.enqueue_indirect_dma source(%dma_start3A_217 : memref<196608x16xf32, #tpu.memory_space<hbm>>) target(%dma_start3A_211 : memref<128x16xf32, #tpu.memory_space<vmem>>) offsets(%dma_start3A_214 : memref<128xi32, #tpu.memory_space<vmem>>) semaphore(%arg11 : memref<!tpu.dma_semaphore, #tpu.memory_space<semaphore_mem>>)
        %mul3A_218 = arith.constant 8 : i32
        %mul3A_219 = arith.muli %add3A_139, %mul3A_218 : i32
        %add3A_220 = arith.constant 6 : i32
        %add3A_221 = arith.addi %mul3A_219, %add3A_220 : i32
        %dma_start3A_222 = arith.constant 768 : i32
        %dma_start3A_223 = arith.constant 0 : i32
        %dma_start3A_224 = tpu.memref_slice %arg9[%dma_start3A_222, %dma_start3A_223] : memref<1024x16xf32, #tpu.memory_space<vmem>> -> memref<128x16xf32, #tpu.memory_space<vmem>>
        %dma_start3A_225 = arith.constant 0 : i32
        %dma_start3A_226 = tpu.memref_slice %arg6[%add3A_221, %dma_start3A_225] : memref<64x128xi32, #tpu.memory_space<vmem>> -> memref<1x128xi32, #tpu.memory_space<vmem>>
        %dma_start3A_227 = tpu.memref_squeeze %dma_start3A_226 : memref<1x128xi32, #tpu.memory_space<vmem>> -> memref<128xi32, #tpu.memory_space<vmem>>
        %dma_start3A_228 = arith.constant 0 : i32
        %dma_start3A_229 = arith.constant 0 : i32
        %dma_start3A_230 = tpu.memref_slice %arg2[%dma_start3A_228, %dma_start3A_229] : memref<196608x16xf32, #tpu.memory_space<hbm>> -> memref<196608x16xf32, #tpu.memory_space<hbm>>
        tpu.enqueue_indirect_dma source(%dma_start3A_230 : memref<196608x16xf32, #tpu.memory_space<hbm>>) target(%dma_start3A_224 : memref<128x16xf32, #tpu.memory_space<vmem>>) offsets(%dma_start3A_227 : memref<128xi32, #tpu.memory_space<vmem>>) semaphore(%arg11 : memref<!tpu.dma_semaphore, #tpu.memory_space<semaphore_mem>>)
        %mul3A_231 = arith.constant 8 : i32
        %mul3A_232 = arith.muli %add3A_139, %mul3A_231 : i32
        %add3A_233 = arith.constant 7 : i32
        %add3A_234 = arith.addi %mul3A_232, %add3A_233 : i32
        %dma_start3A_235 = arith.constant 896 : i32
        %dma_start3A_236 = arith.constant 0 : i32
        %dma_start3A_237 = tpu.memref_slice %arg9[%dma_start3A_235, %dma_start3A_236] : memref<1024x16xf32, #tpu.memory_space<vmem>> -> memref<128x16xf32, #tpu.memory_space<vmem>>
        %dma_start3A_238 = arith.constant 0 : i32
        %dma_start3A_239 = tpu.memref_slice %arg6[%add3A_234, %dma_start3A_238] : memref<64x128xi32, #tpu.memory_space<vmem>> -> memref<1x128xi32, #tpu.memory_space<vmem>>
        %dma_start3A_240 = tpu.memref_squeeze %dma_start3A_239 : memref<1x128xi32, #tpu.memory_space<vmem>> -> memref<128xi32, #tpu.memory_space<vmem>>
        %dma_start3A_241 = arith.constant 0 : i32
        %dma_start3A_242 = arith.constant 0 : i32
        %dma_start3A_243 = tpu.memref_slice %arg2[%dma_start3A_241, %dma_start3A_242] : memref<196608x16xf32, #tpu.memory_space<hbm>> -> memref<196608x16xf32, #tpu.memory_space<hbm>>
        tpu.enqueue_indirect_dma source(%dma_start3A_243 : memref<196608x16xf32, #tpu.memory_space<hbm>>) target(%dma_start3A_237 : memref<128x16xf32, #tpu.memory_space<vmem>>) offsets(%dma_start3A_240 : memref<128xi32, #tpu.memory_space<vmem>>) semaphore(%arg11 : memref<!tpu.dma_semaphore, #tpu.memory_space<semaphore_mem>>)
        %dma_wait3A = arith.constant 0 : i32
        %dma_wait3A_244 = arith.constant 0 : i32
        %dma_wait3A_245 = tpu.memref_slice %arg2[%dma_wait3A, %dma_wait3A_244] : memref<196608x16xf32, #tpu.memory_space<hbm>> -> memref<1024x16xf32, #tpu.memory_space<hbm>>
        %dma_wait3A_246 = arith.constant 0 : i32
        %dma_wait3A_247 = arith.constant 0 : i32
        %dma_wait3A_248 = tpu.memref_slice %arg2[%dma_wait3A_246, %dma_wait3A_247] : memref<196608x16xf32, #tpu.memory_space<hbm>> -> memref<1024x16xf32, #tpu.memory_space<hbm>>
        tpu.wait_dma2 semaphore(%arg11 : memref<!tpu.dma_semaphore, #tpu.memory_space<semaphore_mem>>) src(%dma_wait3A_248 : memref<1024x16xf32, #tpu.memory_space<hbm>>) dst(%arg8 : memref<1024x16xf32, #tpu.memory_space<vmem>>)
        %scan3A_249 = arith.constant 0 : i32
        %scan3A_250 = arith.constant 0 : i32
        %scan3A_251 = arith.constant 32 : i32
        %scan3A_252 = arith.addi %scan3A_250, %scan3A_251 : i32
        %scan3A_253 = arith.constant 1 : i32
        scf.for %scan3A_273 = %scan3A_250 to %scan3A_252 step %scan3A_253  : i32 {
          %mul3A_274 = arith.constant 2 : i32
          %mul3A_275 = arith.muli %scan3A_273, %mul3A_274 : i32
          %mul3A_276 = arith.constant 64 : i32
          %mul3A_277 = arith.muli %mul3A_137, %mul3A_276 : i32
          %add3A_278 = arith.addi %mul3A_277, %mul3A_275 : i32
          %mul3A_279 = arith.constant 16 : i32
          %mul3A_280 = arith.muli %add3A_278, %mul3A_279 : i32
          %get3A = arith.index_cast %mul3A_280 : i32 to index
          %get3A_281 = tpu.vector_load %arg7[%get3A] {strides = array<i32>} : memref<8192xf32, #tpu.memory_space<vmem>>, vector<16xf32>,
          %mul3A_282 = arith.constant 16 : i32
          %mul3A_283 = arith.muli %mul3A_275, %mul3A_282 : i32
          %add3A_284 = arith.constant 0 : i32
          %add3A_285 = arith.addi %mul3A_283, %add3A_284 : i32
          %get3A_286 = arith.index_cast %add3A_285 : i32 to index
          %get3A_287 = arith.constant 0 : index
          %get3A_288 = tpu.vector_load %arg8[%get3A_286, %get3A_287] {strides = array<i32>} : memref<1024x16xf32, #tpu.memory_space<vmem>>, vector<16xf32>,
          %slice3A = vector.extract_strided_slice %get3A_281 {offsets = [0], sizes = [1], strides = [1]} : vector<16xf32> to vector<1xf32>
          %squeeze3A = vector.extract %slice3A[0] : f32 from vector<1xf32>
          %mul3A_289 = vector.broadcast %squeeze3A : f32 to vector<16xf32>
          %mul3A_290 = arith.mulf %get3A_288, %mul3A_289 : vector<16xf32>
          %mul3A_291 = arith.constant 16 : i32
          %mul3A_292 = arith.muli %mul3A_275, %mul3A_291 : i32
          %add3A_293 = arith.constant 1 : i32
          %add3A_294 = arith.addi %mul3A_292, %add3A_293 : i32
          %get3A_295 = arith.index_cast %add3A_294 : i32 to index
          %get3A_296 = arith.constant 0 : index
          %get3A_297 = tpu.vector_load %arg8[%get3A_295, %get3A_296] {strides = array<i32>} : memref<1024x16xf32, #tpu.memory_space<vmem>>, vector<16xf32>,
          %slice3A_298 = vector.extract_strided_slice %get3A_281 {offsets = [1], sizes = [1], strides = [1]} : vector<16xf32> to vector<1xf32>
          %squeeze3A_299 = vector.extract %slice3A_298[0] : f32 from vector<1xf32>
          %mul3A_300 = vector.broadcast %squeeze3A_299 : f32 to vector<16xf32>
          %mul3A_301 = arith.mulf %get3A_297, %mul3A_300 : vector<16xf32>
          %mul3A_302 = arith.constant 16 : i32
          %mul3A_303 = arith.muli %mul3A_275, %mul3A_302 : i32
          %add3A_304 = arith.constant 2 : i32
          %add3A_305 = arith.addi %mul3A_303, %add3A_304 : i32
          %get3A_306 = arith.index_cast %add3A_305 : i32 to index
          %get3A_307 = arith.constant 0 : index
          %get3A_308 = tpu.vector_load %arg8[%get3A_306, %get3A_307] {strides = array<i32>} : memref<1024x16xf32, #tpu.memory_space<vmem>>, vector<16xf32>,
          %slice3A_309 = vector.extract_strided_slice %get3A_281 {offsets = [2], sizes = [1], strides = [1]} : vector<16xf32> to vector<1xf32>
          %squeeze3A_310 = vector.extract %slice3A_309[0] : f32 from vector<1xf32>
          %mul3A_311 = vector.broadcast %squeeze3A_310 : f32 to vector<16xf32>
          %mul3A_312 = arith.mulf %get3A_308, %mul3A_311 : vector<16xf32>
          %mul3A_313 = arith.constant 16 : i32
          %mul3A_314 = arith.muli %mul3A_275, %mul3A_313 : i32
          %add3A_315 = arith.constant 3 : i32
          %add3A_316 = arith.addi %mul3A_314, %add3A_315 : i32
          %get3A_317 = arith.index_cast %add3A_316 : i32 to index
          %get3A_318 = arith.constant 0 : index
          %get3A_319 = tpu.vector_load %arg8[%get3A_317, %get3A_318] {strides = array<i32>} : memref<1024x16xf32, #tpu.memory_space<vmem>>, vector<16xf32>,
          %slice3A_320 = vector.extract_strided_slice %get3A_281 {offsets = [3], sizes = [1], strides = [1]} : vector<16xf32> to vector<1xf32>
          %squeeze3A_321 = vector.extract %slice3A_320[0] : f32 from vector<1xf32>
          %mul3A_322 = vector.broadcast %squeeze3A_321 : f32 to vector<16xf32>
          %mul3A_323 = arith.mulf %get3A_319, %mul3A_322 : vector<16xf32>
          %mul3A_324 = arith.constant 16 : i32
          %mul3A_325 = arith.muli %mul3A_275, %mul3A_324 : i32
          %add3A_326 = arith.constant 4 : i32
          %add3A_327 = arith.addi %mul3A_325, %add3A_326 : i32
          %get3A_328 = arith.index_cast %add3A_327 : i32 to index
          %get3A_329 = arith.constant 0 : index
          %get3A_330 = tpu.vector_load %arg8[%get3A_328, %get3A_329] {strides = array<i32>} : memref<1024x16xf32, #tpu.memory_space<vmem>>, vector<16xf32>,
          %slice3A_331 = vector.extract_strided_slice %get3A_281 {offsets = [4], sizes = [1], strides = [1]} : vector<16xf32> to vector<1xf32>
          %squeeze3A_332 = vector.extract %slice3A_331[0] : f32 from vector<1xf32>
          %mul3A_333 = vector.broadcast %squeeze3A_332 : f32 to vector<16xf32>
          %mul3A_334 = arith.mulf %get3A_330, %mul3A_333 : vector<16xf32>
          %mul3A_335 = arith.constant 16 : i32
          %mul3A_336 = arith.muli %mul3A_275, %mul3A_335 : i32
          %add3A_337 = arith.constant 5 : i32
          %add3A_338 = arith.addi %mul3A_336, %add3A_337 : i32
          %get3A_339 = arith.index_cast %add3A_338 : i32 to index
          %get3A_340 = arith.constant 0 : index
          %get3A_341 = tpu.vector_load %arg8[%get3A_339, %get3A_340] {strides = array<i32>} : memref<1024x16xf32, #tpu.memory_space<vmem>>, vector<16xf32>,
          %slice3A_342 = vector.extract_strided_slice %get3A_281 {offsets = [5], sizes = [1], strides = [1]} : vector<16xf32> to vector<1xf32>
          %squeeze3A_343 = vector.extract %slice3A_342[0] : f32 from vector<1xf32>
          %mul3A_344 = vector.broadcast %squeeze3A_343 : f32 to vector<16xf32>
          %mul3A_345 = arith.mulf %get3A_341, %mul3A_344 : vector<16xf32>
          %mul3A_346 = arith.constant 16 : i32
          %mul3A_347 = arith.muli %mul3A_275, %mul3A_346 : i32
          %add3A_348 = arith.constant 6 : i32
          %add3A_349 = arith.addi %mul3A_347, %add3A_348 : i32
          %get3A_350 = arith.index_cast %add3A_349 : i32 to index
          %get3A_351 = arith.constant 0 : index
          %get3A_352 = tpu.vector_load %arg8[%get3A_350, %get3A_351] {strides = array<i32>} : memref<1024x16xf32, #tpu.memory_space<vmem>>, vector<16xf32>,
          %slice3A_353 = vector.extract_strided_slice %get3A_281 {offsets = [6], sizes = [1], strides = [1]} : vector<16xf32> to vector<1xf32>
          %squeeze3A_354 = vector.extract %slice3A_353[0] : f32 from vector<1xf32>
          %mul3A_355 = vector.broadcast %squeeze3A_354 : f32 to vector<16xf32>
          %mul3A_356 = arith.mulf %get3A_352, %mul3A_355 : vector<16xf32>
          %mul3A_357 = arith.constant 16 : i32
          %mul3A_358 = arith.muli %mul3A_275, %mul3A_357 : i32
          %add3A_359 = arith.constant 7 : i32
          %add3A_360 = arith.addi %mul3A_358, %add3A_359 : i32
          %get3A_361 = arith.index_cast %add3A_360 : i32 to index
          %get3A_362 = arith.constant 0 : index
          %get3A_363 = tpu.vector_load %arg8[%get3A_361, %get3A_362] {strides = array<i32>} : memref<1024x16xf32, #tpu.memory_space<vmem>>, vector<16xf32>,
          %slice3A_364 = vector.extract_strided_slice %get3A_281 {offsets = [7], sizes = [1], strides = [1]} : vector<16xf32> to vector<1xf32>
          %squeeze3A_365 = vector.extract %slice3A_364[0] : f32 from vector<1xf32>
          %mul3A_366 = vector.broadcast %squeeze3A_365 : f32 to vector<16xf32>
          %mul3A_367 = arith.mulf %get3A_363, %mul3A_366 : vector<16xf32>
          %mul3A_368 = arith.constant 16 : i32
          %mul3A_369 = arith.muli %mul3A_275, %mul3A_368 : i32
          %add3A_370 = arith.constant 8 : i32
          %add3A_371 = arith.addi %mul3A_369, %add3A_370 : i32
          %get3A_372 = arith.index_cast %add3A_371 : i32 to index
          %get3A_373 = arith.constant 0 : index
          %get3A_374 = tpu.vector_load %arg8[%get3A_372, %get3A_373] {strides = array<i32>} : memref<1024x16xf32, #tpu.memory_space<vmem>>, vector<16xf32>,
          %slice3A_375 = vector.extract_strided_slice %get3A_281 {offsets = [8], sizes = [1], strides = [1]} : vector<16xf32> to vector<1xf32>
          %squeeze3A_376 = vector.extract %slice3A_375[0] : f32 from vector<1xf32>
          %mul3A_377 = vector.broadcast %squeeze3A_376 : f32 to vector<16xf32>
          %mul3A_378 = arith.mulf %get3A_374, %mul3A_377 : vector<16xf32>
          %mul3A_379 = arith.constant 16 : i32
          %mul3A_380 = arith.muli %mul3A_275, %mul3A_379 : i32
          %add3A_381 = arith.constant 9 : i32
          %add3A_382 = arith.addi %mul3A_380, %add3A_381 : i32
          %get3A_383 = arith.index_cast %add3A_382 : i32 to index
          %get3A_384 = arith.constant 0 : index
          %get3A_385 = tpu.vector_load %arg8[%get3A_383, %get3A_384] {strides = array<i32>} : memref<1024x16xf32, #tpu.memory_space<vmem>>, vector<16xf32>,
          %slice3A_386 = vector.extract_strided_slice %get3A_281 {offsets = [9], sizes = [1], strides = [1]} : vector<16xf32> to vector<1xf32>
          %squeeze3A_387 = vector.extract %slice3A_386[0] : f32 from vector<1xf32>
          %mul3A_388 = vector.broadcast %squeeze3A_387 : f32 to vector<16xf32>
          %mul3A_389 = arith.mulf %get3A_385, %mul3A_388 : vector<16xf32>
          %mul3A_390 = arith.constant 16 : i32
          %mul3A_391 = arith.muli %mul3A_275, %mul3A_390 : i32
          %add3A_392 = arith.constant 10 : i32
          %add3A_393 = arith.addi %mul3A_391, %add3A_392 : i32
          %get3A_394 = arith.index_cast %add3A_393 : i32 to index
          %get3A_395 = arith.constant 0 : index
          %get3A_396 = tpu.vector_load %arg8[%get3A_394, %get3A_395] {strides = array<i32>} : memref<1024x16xf32, #tpu.memory_space<vmem>>, vector<16xf32>,
          %slice3A_397 = vector.extract_strided_slice %get3A_281 {offsets = [10], sizes = [1], strides = [1]} : vector<16xf32> to vector<1xf32>
          %squeeze3A_398 = vector.extract %slice3A_397[0] : f32 from vector<1xf32>
          %mul3A_399 = vector.broadcast %squeeze3A_398 : f32 to vector<16xf32>
          %mul3A_400 = arith.mulf %get3A_396, %mul3A_399 : vector<16xf32>
          %mul3A_401 = arith.constant 16 : i32
          %mul3A_402 = arith.muli %mul3A_275, %mul3A_401 : i32
          %add3A_403 = arith.constant 11 : i32
          %add3A_404 = arith.addi %mul3A_402, %add3A_403 : i32
          %get3A_405 = arith.index_cast %add3A_404 : i32 to index
          %get3A_406 = arith.constant 0 : index
          %get3A_407 = tpu.vector_load %arg8[%get3A_405, %get3A_406] {strides = array<i32>} : memref<1024x16xf32, #tpu.memory_space<vmem>>, vector<16xf32>,
          %slice3A_408 = vector.extract_strided_slice %get3A_281 {offsets = [11], sizes = [1], strides = [1]} : vector<16xf32> to vector<1xf32>
          %squeeze3A_409 = vector.extract %slice3A_408[0] : f32 from vector<1xf32>
          %mul3A_410 = vector.broadcast %squeeze3A_409 : f32 to vector<16xf32>
          %mul3A_411 = arith.mulf %get3A_407, %mul3A_410 : vector<16xf32>
          %mul3A_412 = arith.constant 16 : i32
          %mul3A_413 = arith.muli %mul3A_275, %mul3A_412 : i32
          %add3A_414 = arith.constant 12 : i32
          %add3A_415 = arith.addi %mul3A_413, %add3A_414 : i32
          %get3A_416 = arith.index_cast %add3A_415 : i32 to index
          %get3A_417 = arith.constant 0 : index
          %get3A_418 = tpu.vector_load %arg8[%get3A_416, %get3A_417] {strides = array<i32>} : memref<1024x16xf32, #tpu.memory_space<vmem>>, vector<16xf32>,
          %slice3A_419 = vector.extract_strided_slice %get3A_281 {offsets = [12], sizes = [1], strides = [1]} : vector<16xf32> to vector<1xf32>
          %squeeze3A_420 = vector.extract %slice3A_419[0] : f32 from vector<1xf32>
          %mul3A_421 = vector.broadcast %squeeze3A_420 : f32 to vector<16xf32>
          %mul3A_422 = arith.mulf %get3A_418, %mul3A_421 : vector<16xf32>
          %mul3A_423 = arith.constant 16 : i32
          %mul3A_424 = arith.muli %mul3A_275, %mul3A_423 : i32
          %add3A_425 = arith.constant 13 : i32
          %add3A_426 = arith.addi %mul3A_424, %add3A_425 : i32
          %get3A_427 = arith.index_cast %add3A_426 : i32 to index
          %get3A_428 = arith.constant 0 : index
          %get3A_429 = tpu.vector_load %arg8[%get3A_427, %get3A_428] {strides = array<i32>} : memref<1024x16xf32, #tpu.memory_space<vmem>>, vector<16xf32>,
          %slice3A_430 = vector.extract_strided_slice %get3A_281 {offsets = [13], sizes = [1], strides = [1]} : vector<16xf32> to vector<1xf32>
          %squeeze3A_431 = vector.extract %slice3A_430[0] : f32 from vector<1xf32>
          %mul3A_432 = vector.broadcast %squeeze3A_431 : f32 to vector<16xf32>
          %mul3A_433 = arith.mulf %get3A_429, %mul3A_432 : vector<16xf32>
          %mul3A_434 = arith.constant 16 : i32
          %mul3A_435 = arith.muli %mul3A_275, %mul3A_434 : i32
          %add3A_436 = arith.constant 14 : i32
          %add3A_437 = arith.addi %mul3A_435, %add3A_436 : i32
          %get3A_438 = arith.index_cast %add3A_437 : i32 to index
          %get3A_439 = arith.constant 0 : index
          %get3A_440 = tpu.vector_load %arg8[%get3A_438, %get3A_439] {strides = array<i32>} : memref<1024x16xf32, #tpu.memory_space<vmem>>, vector<16xf32>,
          %slice3A_441 = vector.extract_strided_slice %get3A_281 {offsets = [14], sizes = [1], strides = [1]} : vector<16xf32> to vector<1xf32>
          %squeeze3A_442 = vector.extract %slice3A_441[0] : f32 from vector<1xf32>
          %mul3A_443 = vector.broadcast %squeeze3A_442 : f32 to vector<16xf32>
          %mul3A_444 = arith.mulf %get3A_440, %mul3A_443 : vector<16xf32>
          %mul3A_445 = arith.constant 16 : i32
          %mul3A_446 = arith.muli %mul3A_275, %mul3A_445 : i32
          %add3A_447 = arith.constant 15 : i32
          %add3A_448 = arith.addi %mul3A_446, %add3A_447 : i32
          %get3A_449 = arith.index_cast %add3A_448 : i32 to index
          %get3A_450 = arith.constant 0 : index
          %get3A_451 = tpu.vector_load %arg8[%get3A_449, %get3A_450] {strides = array<i32>} : memref<1024x16xf32, #tpu.memory_space<vmem>>, vector<16xf32>,
          %slice3A_452 = vector.extract_strided_slice %get3A_281 {offsets = [15], sizes = [1], strides = [1]} : vector<16xf32> to vector<1xf32>
          %squeeze3A_453 = vector.extract %slice3A_452[0] : f32 from vector<1xf32>
          %mul3A_454 = vector.broadcast %squeeze3A_453 : f32 to vector<16xf32>
          %mul3A_455 = arith.mulf %get3A_451, %mul3A_454 : vector<16xf32>
          %add3A_456 = arith.addf %mul3A_290, %mul3A_301 : vector<16xf32>
          %add3A_457 = arith.addf %mul3A_312, %mul3A_323 : vector<16xf32>
          %add3A_458 = arith.addf %mul3A_334, %mul3A_345 : vector<16xf32>
          %add3A_459 = arith.addf %mul3A_356, %mul3A_367 : vector<16xf32>
          %add3A_460 = arith.addf %mul3A_378, %mul3A_389 : vector<16xf32>
          %add3A_461 = arith.addf %mul3A_400, %mul3A_411 : vector<16xf32>
          %add3A_462 = arith.addf %mul3A_422, %mul3A_433 : vector<16xf32>
          %add3A_463 = arith.addf %mul3A_444, %mul3A_455 : vector<16xf32>
          %add3A_464 = arith.addf %add3A_456, %add3A_457 : vector<16xf32>
          %add3A_465 = arith.addf %add3A_458, %add3A_459 : vector<16xf32>
          %add3A_466 = arith.addf %add3A_460, %add3A_461 : vector<16xf32>
          %add3A_467 = arith.addf %add3A_462, %add3A_463 : vector<16xf32>
          %add3A_468 = arith.addf %add3A_464, %add3A_465 : vector<16xf32>
          %add3A_469 = arith.addf %add3A_466, %add3A_467 : vector<16xf32>
          %add3A_470 = arith.addf %add3A_468, %add3A_469 : vector<16xf32>
          %mul3A_471 = arith.constant 64 : i32
          %mul3A_472 = arith.muli %mul3A_137, %mul3A_471 : i32
          %add3A_473 = arith.addi %mul3A_472, %mul3A_275 : i32
          %swap3A = arith.index_cast %add3A_473 : i32 to index
          %swap3A_474 = arith.constant 0 : index
          %swap3A_475 = tpu.vector_load %arg10[%swap3A, %swap3A_474] {strides = array<i32>} : memref<512x16xf32, #tpu.memory_space<vmem>>, vector<16xf32>,
          tpu.vector_store %arg10[%swap3A, %swap3A_474], %add3A_470 {strides = array<i32>} : memref<512x16xf32, #tpu.memory_space<vmem>>, vector<16xf32>,
          %mul3A_476 = arith.constant 2 : i32
          %mul3A_477 = arith.muli %scan3A_273, %mul3A_476 : i32
          %add3A_478 = arith.constant 1 : i32
          %add3A_479 = arith.addi %mul3A_477, %add3A_478 : i32
          %mul3A_480 = arith.constant 64 : i32
          %mul3A_481 = arith.muli %mul3A_137, %mul3A_480 : i32
          %add3A_482 = arith.addi %mul3A_481, %add3A_479 : i32
          %mul3A_483 = arith.constant 16 : i32
          %mul3A_484 = arith.muli %add3A_482, %mul3A_483 : i32
          %get3A_485 = arith.index_cast %mul3A_484 : i32 to index
          %get3A_486 = tpu.vector_load %arg7[%get3A_485] {strides = array<i32>} : memref<8192xf32, #tpu.memory_space<vmem>>, vector<16xf32>,
          %mul3A_487 = arith.constant 16 : i32
          %mul3A_488 = arith.muli %add3A_479, %mul3A_487 : i32
          %add3A_489 = arith.constant 0 : i32
          %add3A_490 = arith.addi %mul3A_488, %add3A_489 : i32
          %get3A_491 = arith.index_cast %add3A_490 : i32 to index
          %get3A_492 = arith.constant 0 : index
          %get3A_493 = tpu.vector_load %arg8[%get3A_491, %get3A_492] {strides = array<i32>} : memref<1024x16xf32, #tpu.memory_space<vmem>>, vector<16xf32>,
          %slice3A_494 = vector.extract_strided_slice %get3A_486 {offsets = [0], sizes = [1], strides = [1]} : vector<16xf32> to vector<1xf32>
          %squeeze3A_495 = vector.extract %slice3A_494[0] : f32 from vector<1xf32>
          %mul3A_496 = vector.broadcast %squeeze3A_495 : f32 to vector<16xf32>
          %mul3A_497 = arith.mulf %get3A_493, %mul3A_496 : vector<16xf32>
          %mul3A_498 = arith.constant 16 : i32
          %mul3A_499 = arith.muli %add3A_479, %mul3A_498 : i32
          %add3A_500 = arith.constant 1 : i32
          %add3A_501 = arith.addi %mul3A_499, %add3A_500 : i32
          %get3A_502 = arith.index_cast %add3A_501 : i32 to index
          %get3A_503 = arith.constant 0 : index
          %get3A_504 = tpu.vector_load %arg8[%get3A_502, %get3A_503] {strides = array<i32>} : memref<1024x16xf32, #tpu.memory_space<vmem>>, vector<16xf32>,
          %slice3A_505 = vector.extract_strided_slice %get3A_486 {offsets = [1], sizes = [1], strides = [1]} : vector<16xf32> to vector<1xf32>
          %squeeze3A_506 = vector.extract %slice3A_505[0] : f32 from vector<1xf32>
          %mul3A_507 = vector.broadcast %squeeze3A_506 : f32 to vector<16xf32>
          %mul3A_508 = arith.mulf %get3A_504, %mul3A_507 : vector<16xf32>
          %mul3A_509 = arith.constant 16 : i32
          %mul3A_510 = arith.muli %add3A_479, %mul3A_509 : i32
          %add3A_511 = arith.constant 2 : i32
          %add3A_512 = arith.addi %mul3A_510, %add3A_511 : i32
          %get3A_513 = arith.index_cast %add3A_512 : i32 to index
          %get3A_514 = arith.constant 0 : index
          %get3A_515 = tpu.vector_load %arg8[%get3A_513, %get3A_514] {strides = array<i32>} : memref<1024x16xf32, #tpu.memory_space<vmem>>, vector<16xf32>,
          %slice3A_516 = vector.extract_strided_slice %get3A_486 {offsets = [2], sizes = [1], strides = [1]} : vector<16xf32> to vector<1xf32>
          %squeeze3A_517 = vector.extract %slice3A_516[0] : f32 from vector<1xf32>
          %mul3A_518 = vector.broadcast %squeeze3A_517 : f32 to vector<16xf32>
          %mul3A_519 = arith.mulf %get3A_515, %mul3A_518 : vector<16xf32>
          %mul3A_520 = arith.constant 16 : i32
          %mul3A_521 = arith.muli %add3A_479, %mul3A_520 : i32
          %add3A_522 = arith.constant 3 : i32
          %add3A_523 = arith.addi %mul3A_521, %add3A_522 : i32
          %get3A_524 = arith.index_cast %add3A_523 : i32 to index
          %get3A_525 = arith.constant 0 : index
          %get3A_526 = tpu.vector_load %arg8[%get3A_524, %get3A_525] {strides = array<i32>} : memref<1024x16xf32, #tpu.memory_space<vmem>>, vector<16xf32>,
          %slice3A_527 = vector.extract_strided_slice %get3A_486 {offsets = [3], sizes = [1], strides = [1]} : vector<16xf32> to vector<1xf32>
          %squeeze3A_528 = vector.extract %slice3A_527[0] : f32 from vector<1xf32>
          %mul3A_529 = vector.broadcast %squeeze3A_528 : f32 to vector<16xf32>
          %mul3A_530 = arith.mulf %get3A_526, %mul3A_529 : vector<16xf32>
          %mul3A_531 = arith.constant 16 : i32
          %mul3A_532 = arith.muli %add3A_479, %mul3A_531 : i32
          %add3A_533 = arith.constant 4 : i32
          %add3A_534 = arith.addi %mul3A_532, %add3A_533 : i32
          %get3A_535 = arith.index_cast %add3A_534 : i32 to index
          %get3A_536 = arith.constant 0 : index
          %get3A_537 = tpu.vector_load %arg8[%get3A_535, %get3A_536] {strides = array<i32>} : memref<1024x16xf32, #tpu.memory_space<vmem>>, vector<16xf32>,
          %slice3A_538 = vector.extract_strided_slice %get3A_486 {offsets = [4], sizes = [1], strides = [1]} : vector<16xf32> to vector<1xf32>
          %squeeze3A_539 = vector.extract %slice3A_538[0] : f32 from vector<1xf32>
          %mul3A_540 = vector.broadcast %squeeze3A_539 : f32 to vector<16xf32>
          %mul3A_541 = arith.mulf %get3A_537, %mul3A_540 : vector<16xf32>
          %mul3A_542 = arith.constant 16 : i32
          %mul3A_543 = arith.muli %add3A_479, %mul3A_542 : i32
          %add3A_544 = arith.constant 5 : i32
          %add3A_545 = arith.addi %mul3A_543, %add3A_544 : i32
          %get3A_546 = arith.index_cast %add3A_545 : i32 to index
          %get3A_547 = arith.constant 0 : index
          %get3A_548 = tpu.vector_load %arg8[%get3A_546, %get3A_547] {strides = array<i32>} : memref<1024x16xf32, #tpu.memory_space<vmem>>, vector<16xf32>,
          %slice3A_549 = vector.extract_strided_slice %get3A_486 {offsets = [5], sizes = [1], strides = [1]} : vector<16xf32> to vector<1xf32>
          %squeeze3A_550 = vector.extract %slice3A_549[0] : f32 from vector<1xf32>
          %mul3A_551 = vector.broadcast %squeeze3A_550 : f32 to vector<16xf32>
          %mul3A_552 = arith.mulf %get3A_548, %mul3A_551 : vector<16xf32>
          %mul3A_553 = arith.constant 16 : i32
          %mul3A_554 = arith.muli %add3A_479, %mul3A_553 : i32
          %add3A_555 = arith.constant 6 : i32
          %add3A_556 = arith.addi %mul3A_554, %add3A_555 : i32
          %get3A_557 = arith.index_cast %add3A_556 : i32 to index
          %get3A_558 = arith.constant 0 : index
          %get3A_559 = tpu.vector_load %arg8[%get3A_557, %get3A_558] {strides = array<i32>} : memref<1024x16xf32, #tpu.memory_space<vmem>>, vector<16xf32>,
          %slice3A_560 = vector.extract_strided_slice %get3A_486 {offsets = [6], sizes = [1], strides = [1]} : vector<16xf32> to vector<1xf32>
          %squeeze3A_561 = vector.extract %slice3A_560[0] : f32 from vector<1xf32>
          %mul3A_562 = vector.broadcast %squeeze3A_561 : f32 to vector<16xf32>
          %mul3A_563 = arith.mulf %get3A_559, %mul3A_562 : vector<16xf32>
          %mul3A_564 = arith.constant 16 : i32
          %mul3A_565 = arith.muli %add3A_479, %mul3A_564 : i32
          %add3A_566 = arith.constant 7 : i32
          %add3A_567 = arith.addi %mul3A_565, %add3A_566 : i32
          %get3A_568 = arith.index_cast %add3A_567 : i32 to index
          %get3A_569 = arith.constant 0 : index
          %get3A_570 = tpu.vector_load %arg8[%get3A_568, %get3A_569] {strides = array<i32>} : memref<1024x16xf32, #tpu.memory_space<vmem>>, vector<16xf32>,
          %slice3A_571 = vector.extract_strided_slice %get3A_486 {offsets = [7], sizes = [1], strides = [1]} : vector<16xf32> to vector<1xf32>
          %squeeze3A_572 = vector.extract %slice3A_571[0] : f32 from vector<1xf32>
          %mul3A_573 = vector.broadcast %squeeze3A_572 : f32 to vector<16xf32>
          %mul3A_574 = arith.mulf %get3A_570, %mul3A_573 : vector<16xf32>
          %mul3A_575 = arith.constant 16 : i32
          %mul3A_576 = arith.muli %add3A_479, %mul3A_575 : i32
          %add3A_577 = arith.constant 8 : i32
          %add3A_578 = arith.addi %mul3A_576, %add3A_577 : i32
          %get3A_579 = arith.index_cast %add3A_578 : i32 to index
          %get3A_580 = arith.constant 0 : index
          %get3A_581 = tpu.vector_load %arg8[%get3A_579, %get3A_580] {strides = array<i32>} : memref<1024x16xf32, #tpu.memory_space<vmem>>, vector<16xf32>,
          %slice3A_582 = vector.extract_strided_slice %get3A_486 {offsets = [8], sizes = [1], strides = [1]} : vector<16xf32> to vector<1xf32>
          %squeeze3A_583 = vector.extract %slice3A_582[0] : f32 from vector<1xf32>
          %mul3A_584 = vector.broadcast %squeeze3A_583 : f32 to vector<16xf32>
          %mul3A_585 = arith.mulf %get3A_581, %mul3A_584 : vector<16xf32>
          %mul3A_586 = arith.constant 16 : i32
          %mul3A_587 = arith.muli %add3A_479, %mul3A_586 : i32
          %add3A_588 = arith.constant 9 : i32
          %add3A_589 = arith.addi %mul3A_587, %add3A_588 : i32
          %get3A_590 = arith.index_cast %add3A_589 : i32 to index
          %get3A_591 = arith.constant 0 : index
          %get3A_592 = tpu.vector_load %arg8[%get3A_590, %get3A_591] {strides = array<i32>} : memref<1024x16xf32, #tpu.memory_space<vmem>>, vector<16xf32>,
          %slice3A_593 = vector.extract_strided_slice %get3A_486 {offsets = [9], sizes = [1], strides = [1]} : vector<16xf32> to vector<1xf32>
          %squeeze3A_594 = vector.extract %slice3A_593[0] : f32 from vector<1xf32>
          %mul3A_595 = vector.broadcast %squeeze3A_594 : f32 to vector<16xf32>
          %mul3A_596 = arith.mulf %get3A_592, %mul3A_595 : vector<16xf32>
          %mul3A_597 = arith.constant 16 : i32
          %mul3A_598 = arith.muli %add3A_479, %mul3A_597 : i32
          %add3A_599 = arith.constant 10 : i32
          %add3A_600 = arith.addi %mul3A_598, %add3A_599 : i32
          %get3A_601 = arith.index_cast %add3A_600 : i32 to index
          %get3A_602 = arith.constant 0 : index
          %get3A_603 = tpu.vector_load %arg8[%get3A_601, %get3A_602] {strides = array<i32>} : memref<1024x16xf32, #tpu.memory_space<vmem>>, vector<16xf32>,
          %slice3A_604 = vector.extract_strided_slice %get3A_486 {offsets = [10], sizes = [1], strides = [1]} : vector<16xf32> to vector<1xf32>
          %squeeze3A_605 = vector.extract %slice3A_604[0] : f32 from vector<1xf32>
          %mul3A_606 = vector.broadcast %squeeze3A_605 : f32 to vector<16xf32>
          %mul3A_607 = arith.mulf %get3A_603, %mul3A_606 : vector<16xf32>
          %mul3A_608 = arith.constant 16 : i32
          %mul3A_609 = arith.muli %add3A_479, %mul3A_608 : i32
          %add3A_610 = arith.constant 11 : i32
          %add3A_611 = arith.addi %mul3A_609, %add3A_610 : i32
          %get3A_612 = arith.index_cast %add3A_611 : i32 to index
          %get3A_613 = arith.constant 0 : index
          %get3A_614 = tpu.vector_load %arg8[%get3A_612, %get3A_613] {strides = array<i32>} : memref<1024x16xf32, #tpu.memory_space<vmem>>, vector<16xf32>,
          %slice3A_615 = vector.extract_strided_slice %get3A_486 {offsets = [11], sizes = [1], strides = [1]} : vector<16xf32> to vector<1xf32>
          %squeeze3A_616 = vector.extract %slice3A_615[0] : f32 from vector<1xf32>
          %mul3A_617 = vector.broadcast %squeeze3A_616 : f32 to vector<16xf32>
          %mul3A_618 = arith.mulf %get3A_614, %mul3A_617 : vector<16xf32>
          %mul3A_619 = arith.constant 16 : i32
          %mul3A_620 = arith.muli %add3A_479, %mul3A_619 : i32
          %add3A_621 = arith.constant 12 : i32
          %add3A_622 = arith.addi %mul3A_620, %add3A_621 : i32
          %get3A_623 = arith.index_cast %add3A_622 : i32 to index
          %get3A_624 = arith.constant 0 : index
          %get3A_625 = tpu.vector_load %arg8[%get3A_623, %get3A_624] {strides = array<i32>} : memref<1024x16xf32, #tpu.memory_space<vmem>>, vector<16xf32>,
          %slice3A_626 = vector.extract_strided_slice %get3A_486 {offsets = [12], sizes = [1], strides = [1]} : vector<16xf32> to vector<1xf32>
          %squeeze3A_627 = vector.extract %slice3A_626[0] : f32 from vector<1xf32>
          %mul3A_628 = vector.broadcast %squeeze3A_627 : f32 to vector<16xf32>
          %mul3A_629 = arith.mulf %get3A_625, %mul3A_628 : vector<16xf32>
          %mul3A_630 = arith.constant 16 : i32
          %mul3A_631 = arith.muli %add3A_479, %mul3A_630 : i32
          %add3A_632 = arith.constant 13 : i32
          %add3A_633 = arith.addi %mul3A_631, %add3A_632 : i32
          %get3A_634 = arith.index_cast %add3A_633 : i32 to index
          %get3A_635 = arith.constant 0 : index
          %get3A_636 = tpu.vector_load %arg8[%get3A_634, %get3A_635] {strides = array<i32>} : memref<1024x16xf32, #tpu.memory_space<vmem>>, vector<16xf32>,
          %slice3A_637 = vector.extract_strided_slice %get3A_486 {offsets = [13], sizes = [1], strides = [1]} : vector<16xf32> to vector<1xf32>
          %squeeze3A_638 = vector.extract %slice3A_637[0] : f32 from vector<1xf32>
          %mul3A_639 = vector.broadcast %squeeze3A_638 : f32 to vector<16xf32>
          %mul3A_640 = arith.mulf %get3A_636, %mul3A_639 : vector<16xf32>
          %mul3A_641 = arith.constant 16 : i32
          %mul3A_642 = arith.muli %add3A_479, %mul3A_641 : i32
          %add3A_643 = arith.constant 14 : i32
          %add3A_644 = arith.addi %mul3A_642, %add3A_643 : i32
          %get3A_645 = arith.index_cast %add3A_644 : i32 to index
          %get3A_646 = arith.constant 0 : index
          %get3A_647 = tpu.vector_load %arg8[%get3A_645, %get3A_646] {strides = array<i32>} : memref<1024x16xf32, #tpu.memory_space<vmem>>, vector<16xf32>,
          %slice3A_648 = vector.extract_strided_slice %get3A_486 {offsets = [14], sizes = [1], strides = [1]} : vector<16xf32> to vector<1xf32>
          %squeeze3A_649 = vector.extract %slice3A_648[0] : f32 from vector<1xf32>
          %mul3A_650 = vector.broadcast %squeeze3A_649 : f32 to vector<16xf32>
          %mul3A_651 = arith.mulf %get3A_647, %mul3A_650 : vector<16xf32>
          %mul3A_652 = arith.constant 16 : i32
          %mul3A_653 = arith.muli %add3A_479, %mul3A_652 : i32
          %add3A_654 = arith.constant 15 : i32
          %add3A_655 = arith.addi %mul3A_653, %add3A_654 : i32
          %get3A_656 = arith.index_cast %add3A_655 : i32 to index
          %get3A_657 = arith.constant 0 : index
          %get3A_658 = tpu.vector_load %arg8[%get3A_656, %get3A_657] {strides = array<i32>} : memref<1024x16xf32, #tpu.memory_space<vmem>>, vector<16xf32>,
          %slice3A_659 = vector.extract_strided_slice %get3A_486 {offsets = [15], sizes = [1], strides = [1]} : vector<16xf32> to vector<1xf32>
          %squeeze3A_660 = vector.extract %slice3A_659[0] : f32 from vector<1xf32>
          %mul3A_661 = vector.broadcast %squeeze3A_660 : f32 to vector<16xf32>
          %mul3A_662 = arith.mulf %get3A_658, %mul3A_661 : vector<16xf32>
          %add3A_663 = arith.addf %mul3A_497, %mul3A_508 : vector<16xf32>
          %add3A_664 = arith.addf %mul3A_519, %mul3A_530 : vector<16xf32>
          %add3A_665 = arith.addf %mul3A_541, %mul3A_552 : vector<16xf32>
          %add3A_666 = arith.addf %mul3A_563, %mul3A_574 : vector<16xf32>
          %add3A_667 = arith.addf %mul3A_585, %mul3A_596 : vector<16xf32>
          %add3A_668 = arith.addf %mul3A_607, %mul3A_618 : vector<16xf32>
          %add3A_669 = arith.addf %mul3A_629, %mul3A_640 : vector<16xf32>
          %add3A_670 = arith.addf %mul3A_651, %mul3A_662 : vector<16xf32>
          %add3A_671 = arith.addf %add3A_663, %add3A_664 : vector<16xf32>
          %add3A_672 = arith.addf %add3A_665, %add3A_666 : vector<16xf32>
          %add3A_673 = arith.addf %add3A_667, %add3A_668 : vector<16xf32>
          %add3A_674 = arith.addf %add3A_669, %add3A_670 : vector<16xf32>
          %add3A_675 = arith.addf %add3A_671, %add3A_672 : vector<16xf32>
          %add3A_676 = arith.addf %add3A_673, %add3A_674 : vector<16xf32>
          %add3A_677 = arith.addf %add3A_675, %add3A_676 : vector<16xf32>
          %mul3A_678 = arith.constant 64 : i32
          %mul3A_679 = arith.muli %mul3A_137, %mul3A_678 : i32
          %add3A_680 = arith.addi %mul3A_679, %add3A_479 : i32
          %swap3A_681 = arith.index_cast %add3A_680 : i32 to index
          %swap3A_682 = arith.constant 0 : index
          %swap3A_683 = tpu.vector_load %arg10[%swap3A_681, %swap3A_682] {strides = array<i32>} : memref<512x16xf32, #tpu.memory_space<vmem>>, vector<16xf32>,
          tpu.vector_store %arg10[%swap3A_681, %swap3A_682], %add3A_677 {strides = array<i32>} : memref<512x16xf32, #tpu.memory_space<vmem>>, vector<16xf32>,
        }
        %scan3A_254 = arith.constant 32 : i32
        %add3A_255 = arith.constant 2 : i32
        %add3A_256 = arith.addi %mul3A_137, %add3A_255 : i32
        %lt3A = arith.constant 8 : i32
        %lt3A_257 = arith.cmpi slt, %add3A_256, %lt3A : i32
        %convert_element_type3A = arith.extui %lt3A_257 : i1 to i32
        %cond3A = arith.constant 0 : i32
        %cond3A_258 = arith.cmpi ne, %convert_element_type3A, %cond3A : i32
        scf.if %cond3A_258 {
          %add3A_273 = arith.constant 2 : i32
          %add3A_274 = arith.addi %mul3A_137, %add3A_273 : i32
          %mul3A_275 = arith.constant 8 : i32
          %mul3A_276 = arith.muli %add3A_274, %mul3A_275 : i32
          %add3A_277 = arith.constant 0 : i32
          %add3A_278 = arith.addi %mul3A_276, %add3A_277 : i32
          %dma_start3A_279 = arith.constant 0 : i32
          %dma_start3A_280 = arith.constant 0 : i32
          %dma_start3A_281 = tpu.memref_slice %arg8[%dma_start3A_279, %dma_start3A_280] : memref<1024x16xf32, #tpu.memory_space<vmem>> -> memref<128x16xf32, #tpu.memory_space<vmem>>
          %dma_start3A_282 = arith.constant 0 : i32
          %dma_start3A_283 = tpu.memref_slice %arg6[%add3A_278, %dma_start3A_282] : memref<64x128xi32, #tpu.memory_space<vmem>> -> memref<1x128xi32, #tpu.memory_space<vmem>>
          %dma_start3A_284 = tpu.memref_squeeze %dma_start3A_283 : memref<1x128xi32, #tpu.memory_space<vmem>> -> memref<128xi32, #tpu.memory_space<vmem>>
          %dma_start3A_285 = arith.constant 0 : i32
          %dma_start3A_286 = arith.constant 0 : i32
          %dma_start3A_287 = tpu.memref_slice %arg2[%dma_start3A_285, %dma_start3A_286] : memref<196608x16xf32, #tpu.memory_space<hbm>> -> memref<196608x16xf32, #tpu.memory_space<hbm>>
          tpu.enqueue_indirect_dma source(%dma_start3A_287 : memref<196608x16xf32, #tpu.memory_space<hbm>>) target(%dma_start3A_281 : memref<128x16xf32, #tpu.memory_space<vmem>>) offsets(%dma_start3A_284 : memref<128xi32, #tpu.memory_space<vmem>>) semaphore(%arg11 : memref<!tpu.dma_semaphore, #tpu.memory_space<semaphore_mem>>)
          %mul3A_288 = arith.constant 8 : i32
          %mul3A_289 = arith.muli %add3A_274, %mul3A_288 : i32
          %add3A_290 = arith.constant 1 : i32
          %add3A_291 = arith.addi %mul3A_289, %add3A_290 : i32
          %dma_start3A_292 = arith.constant 128 : i32
          %dma_start3A_293 = arith.constant 0 : i32
          %dma_start3A_294 = tpu.memref_slice %arg8[%dma_start3A_292, %dma_start3A_293] : memref<1024x16xf32, #tpu.memory_space<vmem>> -> memref<128x16xf32, #tpu.memory_space<vmem>>
          %dma_start3A_295 = arith.constant 0 : i32
          %dma_start3A_296 = tpu.memref_slice %arg6[%add3A_291, %dma_start3A_295] : memref<64x128xi32, #tpu.memory_space<vmem>> -> memref<1x128xi32, #tpu.memory_space<vmem>>
          %dma_start3A_297 = tpu.memref_squeeze %dma_start3A_296 : memref<1x128xi32, #tpu.memory_space<vmem>> -> memref<128xi32, #tpu.memory_space<vmem>>
          %dma_start3A_298 = arith.constant 0 : i32
          %dma_start3A_299 = arith.constant 0 : i32
          %dma_start3A_300 = tpu.memref_slice %arg2[%dma_start3A_298, %dma_start3A_299] : memref<196608x16xf32, #tpu.memory_space<hbm>> -> memref<196608x16xf32, #tpu.memory_space<hbm>>
          tpu.enqueue_indirect_dma source(%dma_start3A_300 : memref<196608x16xf32, #tpu.memory_space<hbm>>) target(%dma_start3A_294 : memref<128x16xf32, #tpu.memory_space<vmem>>) offsets(%dma_start3A_297 : memref<128xi32, #tpu.memory_space<vmem>>) semaphore(%arg11 : memref<!tpu.dma_semaphore, #tpu.memory_space<semaphore_mem>>)
          %mul3A_301 = arith.constant 8 : i32
          %mul3A_302 = arith.muli %add3A_274, %mul3A_301 : i32
          %add3A_303 = arith.constant 2 : i32
          %add3A_304 = arith.addi %mul3A_302, %add3A_303 : i32
          %dma_start3A_305 = arith.constant 256 : i32
          %dma_start3A_306 = arith.constant 0 : i32
          %dma_start3A_307 = tpu.memref_slice %arg8[%dma_start3A_305, %dma_start3A_306] : memref<1024x16xf32, #tpu.memory_space<vmem>> -> memref<128x16xf32, #tpu.memory_space<vmem>>
          %dma_start3A_308 = arith.constant 0 : i32
          %dma_start3A_309 = tpu.memref_slice %arg6[%add3A_304, %dma_start3A_308] : memref<64x128xi32, #tpu.memory_space<vmem>> -> memref<1x128xi32, #tpu.memory_space<vmem>>
          %dma_start3A_310 = tpu.memref_squeeze %dma_start3A_309 : memref<1x128xi32, #tpu.memory_space<vmem>> -> memref<128xi32, #tpu.memory_space<vmem>>
          %dma_start3A_311 = arith.constant 0 : i32
          %dma_start3A_312 = arith.constant 0 : i32
          %dma_start3A_313 = tpu.memref_slice %arg2[%dma_start3A_311, %dma_start3A_312] : memref<196608x16xf32, #tpu.memory_space<hbm>> -> memref<196608x16xf32, #tpu.memory_space<hbm>>
          tpu.enqueue_indirect_dma source(%dma_start3A_313 : memref<196608x16xf32, #tpu.memory_space<hbm>>) target(%dma_start3A_307 : memref<128x16xf32, #tpu.memory_space<vmem>>) offsets(%dma_start3A_310 : memref<128xi32, #tpu.memory_space<vmem>>) semaphore(%arg11 : memref<!tpu.dma_semaphore, #tpu.memory_space<semaphore_mem>>)
          %mul3A_314 = arith.constant 8 : i32
          %mul3A_315 = arith.muli %add3A_274, %mul3A_314 : i32
          %add3A_316 = arith.constant 3 : i32
          %add3A_317 = arith.addi %mul3A_315, %add3A_316 : i32
          %dma_start3A_318 = arith.constant 384 : i32
          %dma_start3A_319 = arith.constant 0 : i32
          %dma_start3A_320 = tpu.memref_slice %arg8[%dma_start3A_318, %dma_start3A_319] : memref<1024x16xf32, #tpu.memory_space<vmem>> -> memref<128x16xf32, #tpu.memory_space<vmem>>
          %dma_start3A_321 = arith.constant 0 : i32
          %dma_start3A_322 = tpu.memref_slice %arg6[%add3A_317, %dma_start3A_321] : memref<64x128xi32, #tpu.memory_space<vmem>> -> memref<1x128xi32, #tpu.memory_space<vmem>>
          %dma_start3A_323 = tpu.memref_squeeze %dma_start3A_322 : memref<1x128xi32, #tpu.memory_space<vmem>> -> memref<128xi32, #tpu.memory_space<vmem>>
          %dma_start3A_324 = arith.constant 0 : i32
          %dma_start3A_325 = arith.constant 0 : i32
          %dma_start3A_326 = tpu.memref_slice %arg2[%dma_start3A_324, %dma_start3A_325] : memref<196608x16xf32, #tpu.memory_space<hbm>> -> memref<196608x16xf32, #tpu.memory_space<hbm>>
          tpu.enqueue_indirect_dma source(%dma_start3A_326 : memref<196608x16xf32, #tpu.memory_space<hbm>>) target(%dma_start3A_320 : memref<128x16xf32, #tpu.memory_space<vmem>>) offsets(%dma_start3A_323 : memref<128xi32, #tpu.memory_space<vmem>>) semaphore(%arg11 : memref<!tpu.dma_semaphore, #tpu.memory_space<semaphore_mem>>)
          %mul3A_327 = arith.constant 8 : i32
          %mul3A_328 = arith.muli %add3A_274, %mul3A_327 : i32
          %add3A_329 = arith.constant 4 : i32
          %add3A_330 = arith.addi %mul3A_328, %add3A_329 : i32
          %dma_start3A_331 = arith.constant 512 : i32
          %dma_start3A_332 = arith.constant 0 : i32
          %dma_start3A_333 = tpu.memref_slice %arg8[%dma_start3A_331, %dma_start3A_332] : memref<1024x16xf32, #tpu.memory_space<vmem>> -> memref<128x16xf32, #tpu.memory_space<vmem>>
          %dma_start3A_334 = arith.constant 0 : i32
          %dma_start3A_335 = tpu.memref_slice %arg6[%add3A_330, %dma_start3A_334] : memref<64x128xi32, #tpu.memory_space<vmem>> -> memref<1x128xi32, #tpu.memory_space<vmem>>
          %dma_start3A_336 = tpu.memref_squeeze %dma_start3A_335 : memref<1x128xi32, #tpu.memory_space<vmem>> -> memref<128xi32, #tpu.memory_space<vmem>>
          %dma_start3A_337 = arith.constant 0 : i32
          %dma_start3A_338 = arith.constant 0 : i32
          %dma_start3A_339 = tpu.memref_slice %arg2[%dma_start3A_337, %dma_start3A_338] : memref<196608x16xf32, #tpu.memory_space<hbm>> -> memref<196608x16xf32, #tpu.memory_space<hbm>>
          tpu.enqueue_indirect_dma source(%dma_start3A_339 : memref<196608x16xf32, #tpu.memory_space<hbm>>) target(%dma_start3A_333 : memref<128x16xf32, #tpu.memory_space<vmem>>) offsets(%dma_start3A_336 : memref<128xi32, #tpu.memory_space<vmem>>) semaphore(%arg11 : memref<!tpu.dma_semaphore, #tpu.memory_space<semaphore_mem>>)
          %mul3A_340 = arith.constant 8 : i32
          %mul3A_341 = arith.muli %add3A_274, %mul3A_340 : i32
          %add3A_342 = arith.constant 5 : i32
          %add3A_343 = arith.addi %mul3A_341, %add3A_342 : i32
          %dma_start3A_344 = arith.constant 640 : i32
          %dma_start3A_345 = arith.constant 0 : i32
          %dma_start3A_346 = tpu.memref_slice %arg8[%dma_start3A_344, %dma_start3A_345] : memref<1024x16xf32, #tpu.memory_space<vmem>> -> memref<128x16xf32, #tpu.memory_space<vmem>>
          %dma_start3A_347 = arith.constant 0 : i32
          %dma_start3A_348 = tpu.memref_slice %arg6[%add3A_343, %dma_start3A_347] : memref<64x128xi32, #tpu.memory_space<vmem>> -> memref<1x128xi32, #tpu.memory_space<vmem>>
          %dma_start3A_349 = tpu.memref_squeeze %dma_start3A_348 : memref<1x128xi32, #tpu.memory_space<vmem>> -> memref<128xi32, #tpu.memory_space<vmem>>
          %dma_start3A_350 = arith.constant 0 : i32
          %dma_start3A_351 = arith.constant 0 : i32
          %dma_start3A_352 = tpu.memref_slice %arg2[%dma_start3A_350, %dma_start3A_351] : memref<196608x16xf32, #tpu.memory_space<hbm>> -> memref<196608x16xf32, #tpu.memory_space<hbm>>
          tpu.enqueue_indirect_dma source(%dma_start3A_352 : memref<196608x16xf32, #tpu.memory_space<hbm>>) target(%dma_start3A_346 : memref<128x16xf32, #tpu.memory_space<vmem>>) offsets(%dma_start3A_349 : memref<128xi32, #tpu.memory_space<vmem>>) semaphore(%arg11 : memref<!tpu.dma_semaphore, #tpu.memory_space<semaphore_mem>>)
          %mul3A_353 = arith.constant 8 : i32
          %mul3A_354 = arith.muli %add3A_274, %mul3A_353 : i32
          %add3A_355 = arith.constant 6 : i32
          %add3A_356 = arith.addi %mul3A_354, %add3A_355 : i32
          %dma_start3A_357 = arith.constant 768 : i32
          %dma_start3A_358 = arith.constant 0 : i32
          %dma_start3A_359 = tpu.memref_slice %arg8[%dma_start3A_357, %dma_start3A_358] : memref<1024x16xf32, #tpu.memory_space<vmem>> -> memref<128x16xf32, #tpu.memory_space<vmem>>
          %dma_start3A_360 = arith.constant 0 : i32
          %dma_start3A_361 = tpu.memref_slice %arg6[%add3A_356, %dma_start3A_360] : memref<64x128xi32, #tpu.memory_space<vmem>> -> memref<1x128xi32, #tpu.memory_space<vmem>>
          %dma_start3A_362 = tpu.memref_squeeze %dma_start3A_361 : memref<1x128xi32, #tpu.memory_space<vmem>> -> memref<128xi32, #tpu.memory_space<vmem>>
          %dma_start3A_363 = arith.constant 0 : i32
          %dma_start3A_364 = arith.constant 0 : i32
          %dma_start3A_365 = tpu.memref_slice %arg2[%dma_start3A_363, %dma_start3A_364] : memref<196608x16xf32, #tpu.memory_space<hbm>> -> memref<196608x16xf32, #tpu.memory_space<hbm>>
          tpu.enqueue_indirect_dma source(%dma_start3A_365 : memref<196608x16xf32, #tpu.memory_space<hbm>>) target(%dma_start3A_359 : memref<128x16xf32, #tpu.memory_space<vmem>>) offsets(%dma_start3A_362 : memref<128xi32, #tpu.memory_space<vmem>>) semaphore(%arg11 : memref<!tpu.dma_semaphore, #tpu.memory_space<semaphore_mem>>)
          %mul3A_366 = arith.constant 8 : i32
          %mul3A_367 = arith.muli %add3A_274, %mul3A_366 : i32
          %add3A_368 = arith.constant 7 : i32
          %add3A_369 = arith.addi %mul3A_367, %add3A_368 : i32
          %dma_start3A_370 = arith.constant 896 : i32
          %dma_start3A_371 = arith.constant 0 : i32
          %dma_start3A_372 = tpu.memref_slice %arg8[%dma_start3A_370, %dma_start3A_371] : memref<1024x16xf32, #tpu.memory_space<vmem>> -> memref<128x16xf32, #tpu.memory_space<vmem>>
          %dma_start3A_373 = arith.constant 0 : i32
          %dma_start3A_374 = tpu.memref_slice %arg6[%add3A_369, %dma_start3A_373] : memref<64x128xi32, #tpu.memory_space<vmem>> -> memref<1x128xi32, #tpu.memory_space<vmem>>
          %dma_start3A_375 = tpu.memref_squeeze %dma_start3A_374 : memref<1x128xi32, #tpu.memory_space<vmem>> -> memref<128xi32, #tpu.memory_space<vmem>>
          %dma_start3A_376 = arith.constant 0 : i32
          %dma_start3A_377 = arith.constant 0 : i32
          %dma_start3A_378 = tpu.memref_slice %arg2[%dma_start3A_376, %dma_start3A_377] : memref<196608x16xf32, #tpu.memory_space<hbm>> -> memref<196608x16xf32, #tpu.memory_space<hbm>>
          tpu.enqueue_indirect_dma source(%dma_start3A_378 : memref<196608x16xf32, #tpu.memory_space<hbm>>) target(%dma_start3A_372 : memref<128x16xf32, #tpu.memory_space<vmem>>) offsets(%dma_start3A_375 : memref<128xi32, #tpu.memory_space<vmem>>) semaphore(%arg11 : memref<!tpu.dma_semaphore, #tpu.memory_space<semaphore_mem>>)
        } else {
        }
        %dma_wait3A_259 = arith.constant 0 : i32
        %dma_wait3A_260 = arith.constant 0 : i32
        %dma_wait3A_261 = tpu.memref_slice %arg2[%dma_wait3A_259, %dma_wait3A_260] : memref<196608x16xf32, #tpu.memory_space<hbm>> -> memref<1024x16xf32, #tpu.memory_space<hbm>>
        %dma_wait3A_262 = arith.constant 0 : i32
        %dma_wait3A_263 = arith.constant 0 : i32
        %dma_wait3A_264 = tpu.memref_slice %arg2[%dma_wait3A_262, %dma_wait3A_263] : memref<196608x16xf32, #tpu.memory_space<hbm>> -> memref<1024x16xf32, #tpu.memory_space<hbm>>
        tpu.wait_dma2 semaphore(%arg11 : memref<!tpu.dma_semaphore, #tpu.memory_space<semaphore_mem>>) src(%dma_wait3A_264 : memref<1024x16xf32, #tpu.memory_space<hbm>>) dst(%arg9 : memref<1024x16xf32, #tpu.memory_space<vmem>>)
        %add3A_265 = arith.constant 1 : i32
        %add3A_266 = arith.addi %mul3A_137, %add3A_265 : i32
        %scan3A_267 = arith.constant 0 : i32
        %scan3A_268 = arith.constant 0 : i32
        %scan3A_269 = arith.constant 32 : i32
        %scan3A_270 = arith.addi %scan3A_268, %scan3A_269 : i32
        %scan3A_271 = arith.constant 1 : i32
        scf.for %scan3A_273 = %scan3A_268 to %scan3A_270 step %scan3A_271  : i32 {
          %mul3A_274 = arith.constant 2 : i32
          %mul3A_275 = arith.muli %scan3A_273, %mul3A_274 : i32
          %mul3A_276 = arith.constant 64 : i32
          %mul3A_277 = arith.muli %add3A_266, %mul3A_276 : i32
          %add3A_278 = arith.addi %mul3A_277, %mul3A_275 : i32
          %mul3A_279 = arith.constant 16 : i32
          %mul3A_280 = arith.muli %add3A_278, %mul3A_279 : i32
          %get3A = arith.index_cast %mul3A_280 : i32 to index
          %get3A_281 = tpu.vector_load %arg7[%get3A] {strides = array<i32>} : memref<8192xf32, #tpu.memory_space<vmem>>, vector<16xf32>,
          %mul3A_282 = arith.constant 16 : i32
          %mul3A_283 = arith.muli %mul3A_275, %mul3A_282 : i32
          %add3A_284 = arith.constant 0 : i32
          %add3A_285 = arith.addi %mul3A_283, %add3A_284 : i32
          %get3A_286 = arith.index_cast %add3A_285 : i32 to index
          %get3A_287 = arith.constant 0 : index
          %get3A_288 = tpu.vector_load %arg9[%get3A_286, %get3A_287] {strides = array<i32>} : memref<1024x16xf32, #tpu.memory_space<vmem>>, vector<16xf32>,
          %slice3A = vector.extract_strided_slice %get3A_281 {offsets = [0], sizes = [1], strides = [1]} : vector<16xf32> to vector<1xf32>
          %squeeze3A = vector.extract %slice3A[0] : f32 from vector<1xf32>
          %mul3A_289 = vector.broadcast %squeeze3A : f32 to vector<16xf32>
          %mul3A_290 = arith.mulf %get3A_288, %mul3A_289 : vector<16xf32>
          %mul3A_291 = arith.constant 16 : i32
          %mul3A_292 = arith.muli %mul3A_275, %mul3A_291 : i32
          %add3A_293 = arith.constant 1 : i32
          %add3A_294 = arith.addi %mul3A_292, %add3A_293 : i32
          %get3A_295 = arith.index_cast %add3A_294 : i32 to index
          %get3A_296 = arith.constant 0 : index
          %get3A_297 = tpu.vector_load %arg9[%get3A_295, %get3A_296] {strides = array<i32>} : memref<1024x16xf32, #tpu.memory_space<vmem>>, vector<16xf32>,
          %slice3A_298 = vector.extract_strided_slice %get3A_281 {offsets = [1], sizes = [1], strides = [1]} : vector<16xf32> to vector<1xf32>
          %squeeze3A_299 = vector.extract %slice3A_298[0] : f32 from vector<1xf32>
          %mul3A_300 = vector.broadcast %squeeze3A_299 : f32 to vector<16xf32>
          %mul3A_301 = arith.mulf %get3A_297, %mul3A_300 : vector<16xf32>
          %mul3A_302 = arith.constant 16 : i32
          %mul3A_303 = arith.muli %mul3A_275, %mul3A_302 : i32
          %add3A_304 = arith.constant 2 : i32
          %add3A_305 = arith.addi %mul3A_303, %add3A_304 : i32
          %get3A_306 = arith.index_cast %add3A_305 : i32 to index
          %get3A_307 = arith.constant 0 : index
          %get3A_308 = tpu.vector_load %arg9[%get3A_306, %get3A_307] {strides = array<i32>} : memref<1024x16xf32, #tpu.memory_space<vmem>>, vector<16xf32>,
          %slice3A_309 = vector.extract_strided_slice %get3A_281 {offsets = [2], sizes = [1], strides = [1]} : vector<16xf32> to vector<1xf32>
          %squeeze3A_310 = vector.extract %slice3A_309[0] : f32 from vector<1xf32>
          %mul3A_311 = vector.broadcast %squeeze3A_310 : f32 to vector<16xf32>
          %mul3A_312 = arith.mulf %get3A_308, %mul3A_311 : vector<16xf32>
          %mul3A_313 = arith.constant 16 : i32
          %mul3A_314 = arith.muli %mul3A_275, %mul3A_313 : i32
          %add3A_315 = arith.constant 3 : i32
          %add3A_316 = arith.addi %mul3A_314, %add3A_315 : i32
          %get3A_317 = arith.index_cast %add3A_316 : i32 to index
          %get3A_318 = arith.constant 0 : index
          %get3A_319 = tpu.vector_load %arg9[%get3A_317, %get3A_318] {strides = array<i32>} : memref<1024x16xf32, #tpu.memory_space<vmem>>, vector<16xf32>,
          %slice3A_320 = vector.extract_strided_slice %get3A_281 {offsets = [3], sizes = [1], strides = [1]} : vector<16xf32> to vector<1xf32>
          %squeeze3A_321 = vector.extract %slice3A_320[0] : f32 from vector<1xf32>
          %mul3A_322 = vector.broadcast %squeeze3A_321 : f32 to vector<16xf32>
          %mul3A_323 = arith.mulf %get3A_319, %mul3A_322 : vector<16xf32>
          %mul3A_324 = arith.constant 16 : i32
          %mul3A_325 = arith.muli %mul3A_275, %mul3A_324 : i32
          %add3A_326 = arith.constant 4 : i32
          %add3A_327 = arith.addi %mul3A_325, %add3A_326 : i32
          %get3A_328 = arith.index_cast %add3A_327 : i32 to index
          %get3A_329 = arith.constant 0 : index
          %get3A_330 = tpu.vector_load %arg9[%get3A_328, %get3A_329] {strides = array<i32>} : memref<1024x16xf32, #tpu.memory_space<vmem>>, vector<16xf32>,
          %slice3A_331 = vector.extract_strided_slice %get3A_281 {offsets = [4], sizes = [1], strides = [1]} : vector<16xf32> to vector<1xf32>
          %squeeze3A_332 = vector.extract %slice3A_331[0] : f32 from vector<1xf32>
          %mul3A_333 = vector.broadcast %squeeze3A_332 : f32 to vector<16xf32>
          %mul3A_334 = arith.mulf %get3A_330, %mul3A_333 : vector<16xf32>
          %mul3A_335 = arith.constant 16 : i32
          %mul3A_336 = arith.muli %mul3A_275, %mul3A_335 : i32
          %add3A_337 = arith.constant 5 : i32
          %add3A_338 = arith.addi %mul3A_336, %add3A_337 : i32
          %get3A_339 = arith.index_cast %add3A_338 : i32 to index
          %get3A_340 = arith.constant 0 : index
          %get3A_341 = tpu.vector_load %arg9[%get3A_339, %get3A_340] {strides = array<i32>} : memref<1024x16xf32, #tpu.memory_space<vmem>>, vector<16xf32>,
          %slice3A_342 = vector.extract_strided_slice %get3A_281 {offsets = [5], sizes = [1], strides = [1]} : vector<16xf32> to vector<1xf32>
          %squeeze3A_343 = vector.extract %slice3A_342[0] : f32 from vector<1xf32>
          %mul3A_344 = vector.broadcast %squeeze3A_343 : f32 to vector<16xf32>
          %mul3A_345 = arith.mulf %get3A_341, %mul3A_344 : vector<16xf32>
          %mul3A_346 = arith.constant 16 : i32
          %mul3A_347 = arith.muli %mul3A_275, %mul3A_346 : i32
          %add3A_348 = arith.constant 6 : i32
          %add3A_349 = arith.addi %mul3A_347, %add3A_348 : i32
          %get3A_350 = arith.index_cast %add3A_349 : i32 to index
          %get3A_351 = arith.constant 0 : index
          %get3A_352 = tpu.vector_load %arg9[%get3A_350, %get3A_351] {strides = array<i32>} : memref<1024x16xf32, #tpu.memory_space<vmem>>, vector<16xf32>,
          %slice3A_353 = vector.extract_strided_slice %get3A_281 {offsets = [6], sizes = [1], strides = [1]} : vector<16xf32> to vector<1xf32>
          %squeeze3A_354 = vector.extract %slice3A_353[0] : f32 from vector<1xf32>
          %mul3A_355 = vector.broadcast %squeeze3A_354 : f32 to vector<16xf32>
          %mul3A_356 = arith.mulf %get3A_352, %mul3A_355 : vector<16xf32>
          %mul3A_357 = arith.constant 16 : i32
          %mul3A_358 = arith.muli %mul3A_275, %mul3A_357 : i32
          %add3A_359 = arith.constant 7 : i32
          %add3A_360 = arith.addi %mul3A_358, %add3A_359 : i32
          %get3A_361 = arith.index_cast %add3A_360 : i32 to index
          %get3A_362 = arith.constant 0 : index
          %get3A_363 = tpu.vector_load %arg9[%get3A_361, %get3A_362] {strides = array<i32>} : memref<1024x16xf32, #tpu.memory_space<vmem>>, vector<16xf32>,
          %slice3A_364 = vector.extract_strided_slice %get3A_281 {offsets = [7], sizes = [1], strides = [1]} : vector<16xf32> to vector<1xf32>
          %squeeze3A_365 = vector.extract %slice3A_364[0] : f32 from vector<1xf32>
          %mul3A_366 = vector.broadcast %squeeze3A_365 : f32 to vector<16xf32>
          %mul3A_367 = arith.mulf %get3A_363, %mul3A_366 : vector<16xf32>
          %mul3A_368 = arith.constant 16 : i32
          %mul3A_369 = arith.muli %mul3A_275, %mul3A_368 : i32
          %add3A_370 = arith.constant 8 : i32
          %add3A_371 = arith.addi %mul3A_369, %add3A_370 : i32
          %get3A_372 = arith.index_cast %add3A_371 : i32 to index
          %get3A_373 = arith.constant 0 : index
          %get3A_374 = tpu.vector_load %arg9[%get3A_372, %get3A_373] {strides = array<i32>} : memref<1024x16xf32, #tpu.memory_space<vmem>>, vector<16xf32>,
          %slice3A_375 = vector.extract_strided_slice %get3A_281 {offsets = [8], sizes = [1], strides = [1]} : vector<16xf32> to vector<1xf32>
          %squeeze3A_376 = vector.extract %slice3A_375[0] : f32 from vector<1xf32>
          %mul3A_377 = vector.broadcast %squeeze3A_376 : f32 to vector<16xf32>
          %mul3A_378 = arith.mulf %get3A_374, %mul3A_377 : vector<16xf32>
          %mul3A_379 = arith.constant 16 : i32
          %mul3A_380 = arith.muli %mul3A_275, %mul3A_379 : i32
          %add3A_381 = arith.constant 9 : i32
          %add3A_382 = arith.addi %mul3A_380, %add3A_381 : i32
          %get3A_383 = arith.index_cast %add3A_382 : i32 to index
          %get3A_384 = arith.constant 0 : index
          %get3A_385 = tpu.vector_load %arg9[%get3A_383, %get3A_384] {strides = array<i32>} : memref<1024x16xf32, #tpu.memory_space<vmem>>, vector<16xf32>,
          %slice3A_386 = vector.extract_strided_slice %get3A_281 {offsets = [9], sizes = [1], strides = [1]} : vector<16xf32> to vector<1xf32>
          %squeeze3A_387 = vector.extract %slice3A_386[0] : f32 from vector<1xf32>
          %mul3A_388 = vector.broadcast %squeeze3A_387 : f32 to vector<16xf32>
          %mul3A_389 = arith.mulf %get3A_385, %mul3A_388 : vector<16xf32>
          %mul3A_390 = arith.constant 16 : i32
          %mul3A_391 = arith.muli %mul3A_275, %mul3A_390 : i32
          %add3A_392 = arith.constant 10 : i32
          %add3A_393 = arith.addi %mul3A_391, %add3A_392 : i32
          %get3A_394 = arith.index_cast %add3A_393 : i32 to index
          %get3A_395 = arith.constant 0 : index
          %get3A_396 = tpu.vector_load %arg9[%get3A_394, %get3A_395] {strides = array<i32>} : memref<1024x16xf32, #tpu.memory_space<vmem>>, vector<16xf32>,
          %slice3A_397 = vector.extract_strided_slice %get3A_281 {offsets = [10], sizes = [1], strides = [1]} : vector<16xf32> to vector<1xf32>
          %squeeze3A_398 = vector.extract %slice3A_397[0] : f32 from vector<1xf32>
          %mul3A_399 = vector.broadcast %squeeze3A_398 : f32 to vector<16xf32>
          %mul3A_400 = arith.mulf %get3A_396, %mul3A_399 : vector<16xf32>
          %mul3A_401 = arith.constant 16 : i32
          %mul3A_402 = arith.muli %mul3A_275, %mul3A_401 : i32
          %add3A_403 = arith.constant 11 : i32
          %add3A_404 = arith.addi %mul3A_402, %add3A_403 : i32
          %get3A_405 = arith.index_cast %add3A_404 : i32 to index
          %get3A_406 = arith.constant 0 : index
          %get3A_407 = tpu.vector_load %arg9[%get3A_405, %get3A_406] {strides = array<i32>} : memref<1024x16xf32, #tpu.memory_space<vmem>>, vector<16xf32>,
          %slice3A_408 = vector.extract_strided_slice %get3A_281 {offsets = [11], sizes = [1], strides = [1]} : vector<16xf32> to vector<1xf32>
          %squeeze3A_409 = vector.extract %slice3A_408[0] : f32 from vector<1xf32>
          %mul3A_410 = vector.broadcast %squeeze3A_409 : f32 to vector<16xf32>
          %mul3A_411 = arith.mulf %get3A_407, %mul3A_410 : vector<16xf32>
          %mul3A_412 = arith.constant 16 : i32
          %mul3A_413 = arith.muli %mul3A_275, %mul3A_412 : i32
          %add3A_414 = arith.constant 12 : i32
          %add3A_415 = arith.addi %mul3A_413, %add3A_414 : i32
          %get3A_416 = arith.index_cast %add3A_415 : i32 to index
          %get3A_417 = arith.constant 0 : index
          %get3A_418 = tpu.vector_load %arg9[%get3A_416, %get3A_417] {strides = array<i32>} : memref<1024x16xf32, #tpu.memory_space<vmem>>, vector<16xf32>,
          %slice3A_419 = vector.extract_strided_slice %get3A_281 {offsets = [12], sizes = [1], strides = [1]} : vector<16xf32> to vector<1xf32>
          %squeeze3A_420 = vector.extract %slice3A_419[0] : f32 from vector<1xf32>
          %mul3A_421 = vector.broadcast %squeeze3A_420 : f32 to vector<16xf32>
          %mul3A_422 = arith.mulf %get3A_418, %mul3A_421 : vector<16xf32>
          %mul3A_423 = arith.constant 16 : i32
          %mul3A_424 = arith.muli %mul3A_275, %mul3A_423 : i32
          %add3A_425 = arith.constant 13 : i32
          %add3A_426 = arith.addi %mul3A_424, %add3A_425 : i32
          %get3A_427 = arith.index_cast %add3A_426 : i32 to index
          %get3A_428 = arith.constant 0 : index
          %get3A_429 = tpu.vector_load %arg9[%get3A_427, %get3A_428] {strides = array<i32>} : memref<1024x16xf32, #tpu.memory_space<vmem>>, vector<16xf32>,
          %slice3A_430 = vector.extract_strided_slice %get3A_281 {offsets = [13], sizes = [1], strides = [1]} : vector<16xf32> to vector<1xf32>
          %squeeze3A_431 = vector.extract %slice3A_430[0] : f32 from vector<1xf32>
          %mul3A_432 = vector.broadcast %squeeze3A_431 : f32 to vector<16xf32>
          %mul3A_433 = arith.mulf %get3A_429, %mul3A_432 : vector<16xf32>
          %mul3A_434 = arith.constant 16 : i32
          %mul3A_435 = arith.muli %mul3A_275, %mul3A_434 : i32
          %add3A_436 = arith.constant 14 : i32
          %add3A_437 = arith.addi %mul3A_435, %add3A_436 : i32
          %get3A_438 = arith.index_cast %add3A_437 : i32 to index
          %get3A_439 = arith.constant 0 : index
          %get3A_440 = tpu.vector_load %arg9[%get3A_438, %get3A_439] {strides = array<i32>} : memref<1024x16xf32, #tpu.memory_space<vmem>>, vector<16xf32>,
          %slice3A_441 = vector.extract_strided_slice %get3A_281 {offsets = [14], sizes = [1], strides = [1]} : vector<16xf32> to vector<1xf32>
          %squeeze3A_442 = vector.extract %slice3A_441[0] : f32 from vector<1xf32>
          %mul3A_443 = vector.broadcast %squeeze3A_442 : f32 to vector<16xf32>
          %mul3A_444 = arith.mulf %get3A_440, %mul3A_443 : vector<16xf32>
          %mul3A_445 = arith.constant 16 : i32
          %mul3A_446 = arith.muli %mul3A_275, %mul3A_445 : i32
          %add3A_447 = arith.constant 15 : i32
          %add3A_448 = arith.addi %mul3A_446, %add3A_447 : i32
          %get3A_449 = arith.index_cast %add3A_448 : i32 to index
          %get3A_450 = arith.constant 0 : index
          %get3A_451 = tpu.vector_load %arg9[%get3A_449, %get3A_450] {strides = array<i32>} : memref<1024x16xf32, #tpu.memory_space<vmem>>, vector<16xf32>,
          %slice3A_452 = vector.extract_strided_slice %get3A_281 {offsets = [15], sizes = [1], strides = [1]} : vector<16xf32> to vector<1xf32>
          %squeeze3A_453 = vector.extract %slice3A_452[0] : f32 from vector<1xf32>
          %mul3A_454 = vector.broadcast %squeeze3A_453 : f32 to vector<16xf32>
          %mul3A_455 = arith.mulf %get3A_451, %mul3A_454 : vector<16xf32>
          %add3A_456 = arith.addf %mul3A_290, %mul3A_301 : vector<16xf32>
          %add3A_457 = arith.addf %mul3A_312, %mul3A_323 : vector<16xf32>
          %add3A_458 = arith.addf %mul3A_334, %mul3A_345 : vector<16xf32>
          %add3A_459 = arith.addf %mul3A_356, %mul3A_367 : vector<16xf32>
          %add3A_460 = arith.addf %mul3A_378, %mul3A_389 : vector<16xf32>
          %add3A_461 = arith.addf %mul3A_400, %mul3A_411 : vector<16xf32>
          %add3A_462 = arith.addf %mul3A_422, %mul3A_433 : vector<16xf32>
          %add3A_463 = arith.addf %mul3A_444, %mul3A_455 : vector<16xf32>
          %add3A_464 = arith.addf %add3A_456, %add3A_457 : vector<16xf32>
          %add3A_465 = arith.addf %add3A_458, %add3A_459 : vector<16xf32>
          %add3A_466 = arith.addf %add3A_460, %add3A_461 : vector<16xf32>
          %add3A_467 = arith.addf %add3A_462, %add3A_463 : vector<16xf32>
          %add3A_468 = arith.addf %add3A_464, %add3A_465 : vector<16xf32>
          %add3A_469 = arith.addf %add3A_466, %add3A_467 : vector<16xf32>
          %add3A_470 = arith.addf %add3A_468, %add3A_469 : vector<16xf32>
          %mul3A_471 = arith.constant 64 : i32
          %mul3A_472 = arith.muli %add3A_266, %mul3A_471 : i32
          %add3A_473 = arith.addi %mul3A_472, %mul3A_275 : i32
          %swap3A = arith.index_cast %add3A_473 : i32 to index
          %swap3A_474 = arith.constant 0 : index
          %swap3A_475 = tpu.vector_load %arg10[%swap3A, %swap3A_474] {strides = array<i32>} : memref<512x16xf32, #tpu.memory_space<vmem>>, vector<16xf32>,
          tpu.vector_store %arg10[%swap3A, %swap3A_474], %add3A_470 {strides = array<i32>} : memref<512x16xf32, #tpu.memory_space<vmem>>, vector<16xf32>,
          %mul3A_476 = arith.constant 2 : i32
          %mul3A_477 = arith.muli %scan3A_273, %mul3A_476 : i32
          %add3A_478 = arith.constant 1 : i32
          %add3A_479 = arith.addi %mul3A_477, %add3A_478 : i32
          %mul3A_480 = arith.constant 64 : i32
          %mul3A_481 = arith.muli %add3A_266, %mul3A_480 : i32
          %add3A_482 = arith.addi %mul3A_481, %add3A_479 : i32
          %mul3A_483 = arith.constant 16 : i32
          %mul3A_484 = arith.muli %add3A_482, %mul3A_483 : i32
          %get3A_485 = arith.index_cast %mul3A_484 : i32 to index
          %get3A_486 = tpu.vector_load %arg7[%get3A_485] {strides = array<i32>} : memref<8192xf32, #tpu.memory_space<vmem>>, vector<16xf32>,
          %mul3A_487 = arith.constant 16 : i32
          %mul3A_488 = arith.muli %add3A_479, %mul3A_487 : i32
          %add3A_489 = arith.constant 0 : i32
          %add3A_490 = arith.addi %mul3A_488, %add3A_489 : i32
          %get3A_491 = arith.index_cast %add3A_490 : i32 to index
          %get3A_492 = arith.constant 0 : index
          %get3A_493 = tpu.vector_load %arg9[%get3A_491, %get3A_492] {strides = array<i32>} : memref<1024x16xf32, #tpu.memory_space<vmem>>, vector<16xf32>,
          %slice3A_494 = vector.extract_strided_slice %get3A_486 {offsets = [0], sizes = [1], strides = [1]} : vector<16xf32> to vector<1xf32>
          %squeeze3A_495 = vector.extract %slice3A_494[0] : f32 from vector<1xf32>
          %mul3A_496 = vector.broadcast %squeeze3A_495 : f32 to vector<16xf32>
          %mul3A_497 = arith.mulf %get3A_493, %mul3A_496 : vector<16xf32>
          %mul3A_498 = arith.constant 16 : i32
          %mul3A_499 = arith.muli %add3A_479, %mul3A_498 : i32
          %add3A_500 = arith.constant 1 : i32
          %add3A_501 = arith.addi %mul3A_499, %add3A_500 : i32
          %get3A_502 = arith.index_cast %add3A_501 : i32 to index
          %get3A_503 = arith.constant 0 : index
          %get3A_504 = tpu.vector_load %arg9[%get3A_502, %get3A_503] {strides = array<i32>} : memref<1024x16xf32, #tpu.memory_space<vmem>>, vector<16xf32>,
          %slice3A_505 = vector.extract_strided_slice %get3A_486 {offsets = [1], sizes = [1], strides = [1]} : vector<16xf32> to vector<1xf32>
          %squeeze3A_506 = vector.extract %slice3A_505[0] : f32 from vector<1xf32>
          %mul3A_507 = vector.broadcast %squeeze3A_506 : f32 to vector<16xf32>
          %mul3A_508 = arith.mulf %get3A_504, %mul3A_507 : vector<16xf32>
          %mul3A_509 = arith.constant 16 : i32
          %mul3A_510 = arith.muli %add3A_479, %mul3A_509 : i32
          %add3A_511 = arith.constant 2 : i32
          %add3A_512 = arith.addi %mul3A_510, %add3A_511 : i32
          %get3A_513 = arith.index_cast %add3A_512 : i32 to index
          %get3A_514 = arith.constant 0 : index
          %get3A_515 = tpu.vector_load %arg9[%get3A_513, %get3A_514] {strides = array<i32>} : memref<1024x16xf32, #tpu.memory_space<vmem>>, vector<16xf32>,
          %slice3A_516 = vector.extract_strided_slice %get3A_486 {offsets = [2], sizes = [1], strides = [1]} : vector<16xf32> to vector<1xf32>
          %squeeze3A_517 = vector.extract %slice3A_516[0] : f32 from vector<1xf32>
          %mul3A_518 = vector.broadcast %squeeze3A_517 : f32 to vector<16xf32>
          %mul3A_519 = arith.mulf %get3A_515, %mul3A_518 : vector<16xf32>
          %mul3A_520 = arith.constant 16 : i32
          %mul3A_521 = arith.muli %add3A_479, %mul3A_520 : i32
          %add3A_522 = arith.constant 3 : i32
          %add3A_523 = arith.addi %mul3A_521, %add3A_522 : i32
          %get3A_524 = arith.index_cast %add3A_523 : i32 to index
          %get3A_525 = arith.constant 0 : index
          %get3A_526 = tpu.vector_load %arg9[%get3A_524, %get3A_525] {strides = array<i32>} : memref<1024x16xf32, #tpu.memory_space<vmem>>, vector<16xf32>,
          %slice3A_527 = vector.extract_strided_slice %get3A_486 {offsets = [3], sizes = [1], strides = [1]} : vector<16xf32> to vector<1xf32>
          %squeeze3A_528 = vector.extract %slice3A_527[0] : f32 from vector<1xf32>
          %mul3A_529 = vector.broadcast %squeeze3A_528 : f32 to vector<16xf32>
          %mul3A_530 = arith.mulf %get3A_526, %mul3A_529 : vector<16xf32>
          %mul3A_531 = arith.constant 16 : i32
          %mul3A_532 = arith.muli %add3A_479, %mul3A_531 : i32
          %add3A_533 = arith.constant 4 : i32
          %add3A_534 = arith.addi %mul3A_532, %add3A_533 : i32
          %get3A_535 = arith.index_cast %add3A_534 : i32 to index
          %get3A_536 = arith.constant 0 : index
          %get3A_537 = tpu.vector_load %arg9[%get3A_535, %get3A_536] {strides = array<i32>} : memref<1024x16xf32, #tpu.memory_space<vmem>>, vector<16xf32>,
          %slice3A_538 = vector.extract_strided_slice %get3A_486 {offsets = [4], sizes = [1], strides = [1]} : vector<16xf32> to vector<1xf32>
          %squeeze3A_539 = vector.extract %slice3A_538[0] : f32 from vector<1xf32>
          %mul3A_540 = vector.broadcast %squeeze3A_539 : f32 to vector<16xf32>
          %mul3A_541 = arith.mulf %get3A_537, %mul3A_540 : vector<16xf32>
          %mul3A_542 = arith.constant 16 : i32
          %mul3A_543 = arith.muli %add3A_479, %mul3A_542 : i32
          %add3A_544 = arith.constant 5 : i32
          %add3A_545 = arith.addi %mul3A_543, %add3A_544 : i32
          %get3A_546 = arith.index_cast %add3A_545 : i32 to index
          %get3A_547 = arith.constant 0 : index
          %get3A_548 = tpu.vector_load %arg9[%get3A_546, %get3A_547] {strides = array<i32>} : memref<1024x16xf32, #tpu.memory_space<vmem>>, vector<16xf32>,
          %slice3A_549 = vector.extract_strided_slice %get3A_486 {offsets = [5], sizes = [1], strides = [1]} : vector<16xf32> to vector<1xf32>
          %squeeze3A_550 = vector.extract %slice3A_549[0] : f32 from vector<1xf32>
          %mul3A_551 = vector.broadcast %squeeze3A_550 : f32 to vector<16xf32>
          %mul3A_552 = arith.mulf %get3A_548, %mul3A_551 : vector<16xf32>
          %mul3A_553 = arith.constant 16 : i32
          %mul3A_554 = arith.muli %add3A_479, %mul3A_553 : i32
          %add3A_555 = arith.constant 6 : i32
          %add3A_556 = arith.addi %mul3A_554, %add3A_555 : i32
          %get3A_557 = arith.index_cast %add3A_556 : i32 to index
          %get3A_558 = arith.constant 0 : index
          %get3A_559 = tpu.vector_load %arg9[%get3A_557, %get3A_558] {strides = array<i32>} : memref<1024x16xf32, #tpu.memory_space<vmem>>, vector<16xf32>,
          %slice3A_560 = vector.extract_strided_slice %get3A_486 {offsets = [6], sizes = [1], strides = [1]} : vector<16xf32> to vector<1xf32>
          %squeeze3A_561 = vector.extract %slice3A_560[0] : f32 from vector<1xf32>
          %mul3A_562 = vector.broadcast %squeeze3A_561 : f32 to vector<16xf32>
          %mul3A_563 = arith.mulf %get3A_559, %mul3A_562 : vector<16xf32>
          %mul3A_564 = arith.constant 16 : i32
          %mul3A_565 = arith.muli %add3A_479, %mul3A_564 : i32
          %add3A_566 = arith.constant 7 : i32
          %add3A_567 = arith.addi %mul3A_565, %add3A_566 : i32
          %get3A_568 = arith.index_cast %add3A_567 : i32 to index
          %get3A_569 = arith.constant 0 : index
          %get3A_570 = tpu.vector_load %arg9[%get3A_568, %get3A_569] {strides = array<i32>} : memref<1024x16xf32, #tpu.memory_space<vmem>>, vector<16xf32>,
          %slice3A_571 = vector.extract_strided_slice %get3A_486 {offsets = [7], sizes = [1], strides = [1]} : vector<16xf32> to vector<1xf32>
          %squeeze3A_572 = vector.extract %slice3A_571[0] : f32 from vector<1xf32>
          %mul3A_573 = vector.broadcast %squeeze3A_572 : f32 to vector<16xf32>
          %mul3A_574 = arith.mulf %get3A_570, %mul3A_573 : vector<16xf32>
          %mul3A_575 = arith.constant 16 : i32
          %mul3A_576 = arith.muli %add3A_479, %mul3A_575 : i32
          %add3A_577 = arith.constant 8 : i32
          %add3A_578 = arith.addi %mul3A_576, %add3A_577 : i32
          %get3A_579 = arith.index_cast %add3A_578 : i32 to index
          %get3A_580 = arith.constant 0 : index
          %get3A_581 = tpu.vector_load %arg9[%get3A_579, %get3A_580] {strides = array<i32>} : memref<1024x16xf32, #tpu.memory_space<vmem>>, vector<16xf32>,
          %slice3A_582 = vector.extract_strided_slice %get3A_486 {offsets = [8], sizes = [1], strides = [1]} : vector<16xf32> to vector<1xf32>
          %squeeze3A_583 = vector.extract %slice3A_582[0] : f32 from vector<1xf32>
          %mul3A_584 = vector.broadcast %squeeze3A_583 : f32 to vector<16xf32>
          %mul3A_585 = arith.mulf %get3A_581, %mul3A_584 : vector<16xf32>
          %mul3A_586 = arith.constant 16 : i32
          %mul3A_587 = arith.muli %add3A_479, %mul3A_586 : i32
          %add3A_588 = arith.constant 9 : i32
          %add3A_589 = arith.addi %mul3A_587, %add3A_588 : i32
          %get3A_590 = arith.index_cast %add3A_589 : i32 to index
          %get3A_591 = arith.constant 0 : index
          %get3A_592 = tpu.vector_load %arg9[%get3A_590, %get3A_591] {strides = array<i32>} : memref<1024x16xf32, #tpu.memory_space<vmem>>, vector<16xf32>,
          %slice3A_593 = vector.extract_strided_slice %get3A_486 {offsets = [9], sizes = [1], strides = [1]} : vector<16xf32> to vector<1xf32>
          %squeeze3A_594 = vector.extract %slice3A_593[0] : f32 from vector<1xf32>
          %mul3A_595 = vector.broadcast %squeeze3A_594 : f32 to vector<16xf32>
          %mul3A_596 = arith.mulf %get3A_592, %mul3A_595 : vector<16xf32>
          %mul3A_597 = arith.constant 16 : i32
          %mul3A_598 = arith.muli %add3A_479, %mul3A_597 : i32
          %add3A_599 = arith.constant 10 : i32
          %add3A_600 = arith.addi %mul3A_598, %add3A_599 : i32
          %get3A_601 = arith.index_cast %add3A_600 : i32 to index
          %get3A_602 = arith.constant 0 : index
          %get3A_603 = tpu.vector_load %arg9[%get3A_601, %get3A_602] {strides = array<i32>} : memref<1024x16xf32, #tpu.memory_space<vmem>>, vector<16xf32>,
          %slice3A_604 = vector.extract_strided_slice %get3A_486 {offsets = [10], sizes = [1], strides = [1]} : vector<16xf32> to vector<1xf32>
          %squeeze3A_605 = vector.extract %slice3A_604[0] : f32 from vector<1xf32>
          %mul3A_606 = vector.broadcast %squeeze3A_605 : f32 to vector<16xf32>
          %mul3A_607 = arith.mulf %get3A_603, %mul3A_606 : vector<16xf32>
          %mul3A_608 = arith.constant 16 : i32
          %mul3A_609 = arith.muli %add3A_479, %mul3A_608 : i32
          %add3A_610 = arith.constant 11 : i32
          %add3A_611 = arith.addi %mul3A_609, %add3A_610 : i32
          %get3A_612 = arith.index_cast %add3A_611 : i32 to index
          %get3A_613 = arith.constant 0 : index
          %get3A_614 = tpu.vector_load %arg9[%get3A_612, %get3A_613] {strides = array<i32>} : memref<1024x16xf32, #tpu.memory_space<vmem>>, vector<16xf32>,
          %slice3A_615 = vector.extract_strided_slice %get3A_486 {offsets = [11], sizes = [1], strides = [1]} : vector<16xf32> to vector<1xf32>
          %squeeze3A_616 = vector.extract %slice3A_615[0] : f32 from vector<1xf32>
          %mul3A_617 = vector.broadcast %squeeze3A_616 : f32 to vector<16xf32>
          %mul3A_618 = arith.mulf %get3A_614, %mul3A_617 : vector<16xf32>
          %mul3A_619 = arith.constant 16 : i32
          %mul3A_620 = arith.muli %add3A_479, %mul3A_619 : i32
          %add3A_621 = arith.constant 12 : i32
          %add3A_622 = arith.addi %mul3A_620, %add3A_621 : i32
          %get3A_623 = arith.index_cast %add3A_622 : i32 to index
          %get3A_624 = arith.constant 0 : index
          %get3A_625 = tpu.vector_load %arg9[%get3A_623, %get3A_624] {strides = array<i32>} : memref<1024x16xf32, #tpu.memory_space<vmem>>, vector<16xf32>,
          %slice3A_626 = vector.extract_strided_slice %get3A_486 {offsets = [12], sizes = [1], strides = [1]} : vector<16xf32> to vector<1xf32>
          %squeeze3A_627 = vector.extract %slice3A_626[0] : f32 from vector<1xf32>
          %mul3A_628 = vector.broadcast %squeeze3A_627 : f32 to vector<16xf32>
          %mul3A_629 = arith.mulf %get3A_625, %mul3A_628 : vector<16xf32>
          %mul3A_630 = arith.constant 16 : i32
          %mul3A_631 = arith.muli %add3A_479, %mul3A_630 : i32
          %add3A_632 = arith.constant 13 : i32
          %add3A_633 = arith.addi %mul3A_631, %add3A_632 : i32
          %get3A_634 = arith.index_cast %add3A_633 : i32 to index
          %get3A_635 = arith.constant 0 : index
          %get3A_636 = tpu.vector_load %arg9[%get3A_634, %get3A_635] {strides = array<i32>} : memref<1024x16xf32, #tpu.memory_space<vmem>>, vector<16xf32>,
          %slice3A_637 = vector.extract_strided_slice %get3A_486 {offsets = [13], sizes = [1], strides = [1]} : vector<16xf32> to vector<1xf32>
          %squeeze3A_638 = vector.extract %slice3A_637[0] : f32 from vector<1xf32>
          %mul3A_639 = vector.broadcast %squeeze3A_638 : f32 to vector<16xf32>
          %mul3A_640 = arith.mulf %get3A_636, %mul3A_639 : vector<16xf32>
          %mul3A_641 = arith.constant 16 : i32
          %mul3A_642 = arith.muli %add3A_479, %mul3A_641 : i32
          %add3A_643 = arith.constant 14 : i32
          %add3A_644 = arith.addi %mul3A_642, %add3A_643 : i32
          %get3A_645 = arith.index_cast %add3A_644 : i32 to index
          %get3A_646 = arith.constant 0 : index
          %get3A_647 = tpu.vector_load %arg9[%get3A_645, %get3A_646] {strides = array<i32>} : memref<1024x16xf32, #tpu.memory_space<vmem>>, vector<16xf32>,
          %slice3A_648 = vector.extract_strided_slice %get3A_486 {offsets = [14], sizes = [1], strides = [1]} : vector<16xf32> to vector<1xf32>
          %squeeze3A_649 = vector.extract %slice3A_648[0] : f32 from vector<1xf32>
          %mul3A_650 = vector.broadcast %squeeze3A_649 : f32 to vector<16xf32>
          %mul3A_651 = arith.mulf %get3A_647, %mul3A_650 : vector<16xf32>
          %mul3A_652 = arith.constant 16 : i32
          %mul3A_653 = arith.muli %add3A_479, %mul3A_652 : i32
          %add3A_654 = arith.constant 15 : i32
          %add3A_655 = arith.addi %mul3A_653, %add3A_654 : i32
          %get3A_656 = arith.index_cast %add3A_655 : i32 to index
          %get3A_657 = arith.constant 0 : index
          %get3A_658 = tpu.vector_load %arg9[%get3A_656, %get3A_657] {strides = array<i32>} : memref<1024x16xf32, #tpu.memory_space<vmem>>, vector<16xf32>,
          %slice3A_659 = vector.extract_strided_slice %get3A_486 {offsets = [15], sizes = [1], strides = [1]} : vector<16xf32> to vector<1xf32>
          %squeeze3A_660 = vector.extract %slice3A_659[0] : f32 from vector<1xf32>
          %mul3A_661 = vector.broadcast %squeeze3A_660 : f32 to vector<16xf32>
          %mul3A_662 = arith.mulf %get3A_658, %mul3A_661 : vector<16xf32>
          %add3A_663 = arith.addf %mul3A_497, %mul3A_508 : vector<16xf32>
          %add3A_664 = arith.addf %mul3A_519, %mul3A_530 : vector<16xf32>
          %add3A_665 = arith.addf %mul3A_541, %mul3A_552 : vector<16xf32>
          %add3A_666 = arith.addf %mul3A_563, %mul3A_574 : vector<16xf32>
          %add3A_667 = arith.addf %mul3A_585, %mul3A_596 : vector<16xf32>
          %add3A_668 = arith.addf %mul3A_607, %mul3A_618 : vector<16xf32>
          %add3A_669 = arith.addf %mul3A_629, %mul3A_640 : vector<16xf32>
          %add3A_670 = arith.addf %mul3A_651, %mul3A_662 : vector<16xf32>
          %add3A_671 = arith.addf %add3A_663, %add3A_664 : vector<16xf32>
          %add3A_672 = arith.addf %add3A_665, %add3A_666 : vector<16xf32>
          %add3A_673 = arith.addf %add3A_667, %add3A_668 : vector<16xf32>
          %add3A_674 = arith.addf %add3A_669, %add3A_670 : vector<16xf32>
          %add3A_675 = arith.addf %add3A_671, %add3A_672 : vector<16xf32>
          %add3A_676 = arith.addf %add3A_673, %add3A_674 : vector<16xf32>
          %add3A_677 = arith.addf %add3A_675, %add3A_676 : vector<16xf32>
          %mul3A_678 = arith.constant 64 : i32
          %mul3A_679 = arith.muli %add3A_266, %mul3A_678 : i32
          %add3A_680 = arith.addi %mul3A_679, %add3A_479 : i32
          %swap3A_681 = arith.index_cast %add3A_680 : i32 to index
          %swap3A_682 = arith.constant 0 : index
          %swap3A_683 = tpu.vector_load %arg10[%swap3A_681, %swap3A_682] {strides = array<i32>} : memref<512x16xf32, #tpu.memory_space<vmem>>, vector<16xf32>,
          tpu.vector_store %arg10[%swap3A_681, %swap3A_682], %add3A_677 {strides = array<i32>} : memref<512x16xf32, #tpu.memory_space<vmem>>, vector<16xf32>,
        }
        %scan3A_272 = arith.constant 32 : i32
      }
      %scan3A_132 = arith.constant 4 : i32
      %mul3A_133 = arith.constant 8 : i32
      %mul3A_134 = arith.muli %add3A_45, %mul3A_133 : i32
      "tpu.region"() ({
        %run_scoped3A = tpu.sem_alloc : memref<!tpu.dma_semaphore, #tpu.memory_space<semaphore_mem>>
        %dma_start3A_135 = arith.constant 0 : i32
        %dma_start3A_136 = tpu.memref_slice %arg5[%mul3A_134, %dma_start3A_135] : memref<196608x16xf32, #tpu.memory_space<hbm>> -> memref<512x16xf32, #tpu.memory_space<hbm>>
        %dma_start3A_137 = arith.constant 0 : i32
        %dma_start3A_138 = tpu.memref_slice %arg5[%mul3A_134, %dma_start3A_137] : memref<196608x16xf32, #tpu.memory_space<hbm>> -> memref<512x16xf32, #tpu.memory_space<hbm>>
        tpu.enqueue_dma source(%arg10 : memref<512x16xf32, #tpu.memory_space<vmem>>) target(%dma_start3A_138 : memref<512x16xf32, #tpu.memory_space<hbm>>) target_semaphore(%run_scoped3A : memref<!tpu.dma_semaphore, #tpu.memory_space<semaphore_mem>>)
        %dma_wait3A = arith.constant 0 : i32
        %dma_wait3A_139 = tpu.memref_slice %arg5[%mul3A_134, %dma_wait3A] : memref<196608x16xf32, #tpu.memory_space<hbm>> -> memref<512x16xf32, #tpu.memory_space<hbm>>
        %dma_wait3A_140 = arith.constant 0 : i32
        %dma_wait3A_141 = tpu.memref_slice %arg5[%mul3A_134, %dma_wait3A_140] : memref<196608x16xf32, #tpu.memory_space<hbm>> -> memref<512x16xf32, #tpu.memory_space<hbm>>
        tpu.wait_dma2 semaphore(%run_scoped3A : memref<!tpu.dma_semaphore, #tpu.memory_space<semaphore_mem>>) src(%arg10 : memref<512x16xf32, #tpu.memory_space<vmem>>) dst(%dma_wait3A_141 : memref<512x16xf32, #tpu.memory_space<hbm>>)
        tpu.yield
      }) : () -> ()
    }
    %scan3A_39 = arith.constant 12 : i32
    return
  }
}

module attributes {stable_mosaic.version = 14 : i64} {
  func.func @_stage1_body(%arg0: i32, %arg1: memref<1024x96xf32, #tpu.memory_space<vmem>>, %arg2: memref<1024x96xf32, #tpu.memory_space<vmem>>, %arg3: memref<96x288xf32, #tpu.memory_space<vmem>>, %arg4: memref<1x288xf32, #tpu.memory_space<vmem>>, %arg5: memref<96x96xf32, #tpu.memory_space<vmem>>, %arg6: memref<96x96xf32, #tpu.memory_space<vmem>>, %arg7: memref<1x96xf32, #tpu.memory_space<vmem>>, %arg8: memref<1x96xf32, #tpu.memory_space<vmem>>, %arg9: memref<1x96xf32, #tpu.memory_space<vmem>>, %arg10: memref<1x96xi32, #tpu.memory_space<vmem>>, %arg11: memref<1024x96xi32, #tpu.memory_space<vmem>>, %arg12: memref<1024x96xf32, #tpu.memory_space<vmem>>, %arg13: memref<1024x96xf32, #tpu.memory_space<vmem>>) attributes {dimension_semantics = [#tpu.dimension_semantics<arbitrary>], iteration_bounds = array<i64: 32>, scalar_prefetch = 0 : i64, scratch_operands = 0 : i64, tpu.core_type = #tpu.core_type<tc>, window_params = [{transform_indices = @transform_0, window_bounds = array<i64: 1024, 96>}, {transform_indices = @transform_1, window_bounds = array<i64: 1024, 96>}, {pipeline_mode = #tpu.pipeline_mode<synchronous>, transform_indices = @transform_2, window_bounds = array<i64: 96, 288>}, {pipeline_mode = #tpu.pipeline_mode<synchronous>, transform_indices = @transform_3, window_bounds = array<i64: 1, 288>}, {pipeline_mode = #tpu.pipeline_mode<synchronous>, transform_indices = @transform_4, window_bounds = array<i64: 96, 96>}, {pipeline_mode = #tpu.pipeline_mode<synchronous>, transform_indices = @transform_5, window_bounds = array<i64: 96, 96>}, {pipeline_mode = #tpu.pipeline_mode<synchronous>, transform_indices = @transform_6, window_bounds = array<i64: 1, 96>}, {pipeline_mode = #tpu.pipeline_mode<synchronous>, transform_indices = @transform_7, window_bounds = array<i64: 1, 96>}, {pipeline_mode = #tpu.pipeline_mode<synchronous>, transform_indices = @transform_8, window_bounds = array<i64: 1, 96>}, {pipeline_mode = #tpu.pipeline_mode<synchronous>, transform_indices = @transform_9, window_bounds = array<i64: 1, 96>}, {transform_indices = @transform_10, window_bounds = array<i64: 1024, 96>}, {transform_indices = @transform_11, window_bounds = array<i64: 1024, 96>}, {transform_indices = @transform_12, window_bounds = array<i64: 1024, 96>}]} {
    %get3A = arith.constant 0 : index
    %get3A_0 = arith.constant 0 : index
    %get3A_1 = vector.load %arg1[%get3A, %get3A_0] : memref<1024x96xf32, #tpu.memory_space<vmem>>, vector<1024x96xf32>
    %get3A_2 = arith.constant 0 : index
    %get3A_3 = arith.constant 0 : index
    %get3A_4 = vector.load %arg3[%get3A_2, %get3A_3] : memref<96x288xf32, #tpu.memory_space<vmem>>, vector<96x288xf32>
    %dot_general3A = arith.constant dense<0.000000e+00> : vector<1024x288xf32>
    %dot_general3A_5 = tpu.matmul %get3A_1, %get3A_4, %dot_general3A {dimension_numbers = #tpu.dot_dimension_numbers<[1], [0], [0], [1], [0, 0, 1, 1], [], []>, transpose_lhs_hint = false} : vector<1024x96xf32>, vector<96x288xf32>, vector<1024x288xf32> -> vector<1024x288xf32>
    %get3A_6 = arith.constant 0 : index
    %get3A_7 = arith.constant 0 : index
    %get3A_8 = vector.load %arg4[%get3A_6, %get3A_7] : memref<1x288xf32, #tpu.memory_space<vmem>>, vector<1x288xf32>
    %add3A = vector.broadcast %get3A_8 : vector<1x288xf32> to vector<1024x288xf32>
    %add3A_9 = arith.addf %dot_general3A_5, %add3A : vector<1024x288xf32>
    %slice3A = vector.extract_strided_slice %add3A_9 {offsets = [0, 0], sizes = [1024, 96], strides = [1, 1]} : vector<1024x288xf32> to vector<1024x96xf32>
    %mul3A = arith.constant 1.280000e+02 : f32
    %mul3A_10 = vector.broadcast %mul3A : f32 to vector<1024x96xf32>
    %mul3A_11 = arith.mulf %slice3A, %mul3A_10 : vector<1024x96xf32>
    %sub3A = arith.constant 5.000000e-01 : f32
    %sub3A_12 = vector.broadcast %sub3A : f32 to vector<1024x96xf32>
    %sub3A_13 = arith.subf %mul3A_11, %sub3A_12 : vector<1024x96xf32>
    %slice3A_14 = vector.extract_strided_slice %add3A_9 {offsets = [0, 96], sizes = [1024, 96], strides = [1, 1]} : vector<1024x288xf32> to vector<1024x96xf32>
    %mul3A_15 = arith.constant 1.280000e+02 : f32
    %mul3A_16 = vector.broadcast %mul3A_15 : f32 to vector<1024x96xf32>
    %mul3A_17 = arith.mulf %slice3A_14, %mul3A_16 : vector<1024x96xf32>
    %sub3A_18 = arith.constant 5.000000e-01 : f32
    %sub3A_19 = vector.broadcast %sub3A_18 : f32 to vector<1024x96xf32>
    %sub3A_20 = arith.subf %mul3A_17, %sub3A_19 : vector<1024x96xf32>
    %slice3A_21 = vector.extract_strided_slice %add3A_9 {offsets = [0, 192], sizes = [1024, 96], strides = [1, 1]} : vector<1024x288xf32> to vector<1024x96xf32>
    %reduce_max3A = arith.constant dense<0xFF800000> : vector<1024xf32>
    %reduce_max3A_22 = vector.multi_reduction <maximumf>, %slice3A_21, %reduce_max3A [1] : vector<1024x96xf32> to vector<1024xf32>
    %broadcast_in_dim3A = vector.shape_cast %reduce_max3A_22 : vector<1024xf32> to vector<1024x1xf32>
    %sub3A_23 = vector.broadcast %broadcast_in_dim3A : vector<1024x1xf32> to vector<1024x96xf32>
    %sub3A_24 = arith.subf %slice3A_21, %sub3A_23 : vector<1024x96xf32>
    %exp3A = math.exp %sub3A_24 : vector<1024x96xf32>
    %get3A_25 = arith.constant 0 : index
    %get3A_26 = arith.constant 0 : index
    %get3A_27 = vector.load %arg5[%get3A_25, %get3A_26] : memref<96x96xf32, #tpu.memory_space<vmem>>, vector<96x96xf32>
    %dot_general3A_28 = arith.constant dense<0.000000e+00> : vector<1024x96xf32>
    %dot_general3A_29 = tpu.matmul %exp3A, %get3A_27, %dot_general3A_28 {dimension_numbers = #tpu.dot_dimension_numbers<[1], [0], [0], [1], [0, 0, 1, 1], [], []>, precision = #tpu.contract_precision<fp32>, transpose_lhs_hint = false} : vector<1024x96xf32>, vector<96x96xf32>, vector<1024x96xf32> -> vector<1024x96xf32>
    %div3A = arith.divf %exp3A, %dot_general3A_29 : vector<1024x96xf32>
    %floor3A = math.floor %sub3A_13 : vector<1024x96xf32>
    %floor3A_30 = math.floor %sub3A_20 : vector<1024x96xf32>
    %sub3A_31 = arith.subf %sub3A_13, %floor3A : vector<1024x96xf32>
    %sub3A_32 = arith.subf %sub3A_20, %floor3A_30 : vector<1024x96xf32>
    %get3A_33 = arith.constant 0 : index
    %get3A_34 = arith.constant 0 : index
    %get3A_35 = vector.load %arg8[%get3A_33, %get3A_34] : memref<1x96xf32, #tpu.memory_space<vmem>>, vector<1x96xf32>
    %get3A_36 = arith.constant 0 : index
    %get3A_37 = arith.constant 0 : index
    %get3A_38 = vector.load %arg9[%get3A_36, %get3A_37] : memref<1x96xf32, #tpu.memory_space<vmem>>, vector<1x96xf32>
    %add3A_39 = vector.broadcast %get3A_35 : vector<1x96xf32> to vector<1024x96xf32>
    %add3A_40 = arith.addf %floor3A, %add3A_39 : vector<1024x96xf32>
    %add3A_41 = vector.broadcast %get3A_38 : vector<1x96xf32> to vector<1024x96xf32>
    %add3A_42 = arith.addf %floor3A_30, %add3A_41 : vector<1024x96xf32>
    %gt3A = arith.constant 5.000000e-01 : f32
    %gt3A_43 = vector.broadcast %gt3A : f32 to vector<1x96xf32>
    %gt3A_44 = arith.cmpf ogt, %get3A_35, %gt3A_43 : vector<1x96xf32>
    %sub3A_45 = arith.constant 1.000000e+00 : f32
    %sub3A_46 = vector.broadcast %sub3A_45 : f32 to vector<1024x96xf32>
    %sub3A_47 = arith.subf %sub3A_46, %sub3A_31 : vector<1024x96xf32>
    %broadcast_in_dim3A_48 = vector.shape_cast %gt3A_44 : vector<1x96xi1> to vector<1x96xi1>
    %broadcast_in_dim3A_49 = vector.broadcast %broadcast_in_dim3A_48 : vector<1x96xi1> to vector<1024x96xi1>
    %select_n3A = arith.select %broadcast_in_dim3A_49, %sub3A_31, %sub3A_47 : vector<1024x96xi1>, vector<1024x96xf32>
    %gt3A_50 = arith.constant 5.000000e-01 : f32
    %gt3A_51 = vector.broadcast %gt3A_50 : f32 to vector<1x96xf32>
    %gt3A_52 = arith.cmpf ogt, %get3A_38, %gt3A_51 : vector<1x96xf32>
    %sub3A_53 = arith.constant 1.000000e+00 : f32
    %sub3A_54 = vector.broadcast %sub3A_53 : f32 to vector<1024x96xf32>
    %sub3A_55 = arith.subf %sub3A_54, %sub3A_32 : vector<1024x96xf32>
    %broadcast_in_dim3A_56 = vector.shape_cast %gt3A_52 : vector<1x96xi1> to vector<1x96xi1>
    %broadcast_in_dim3A_57 = vector.broadcast %broadcast_in_dim3A_56 : vector<1x96xi1> to vector<1024x96xi1>
    %select_n3A_58 = arith.select %broadcast_in_dim3A_57, %sub3A_32, %sub3A_55 : vector<1024x96xi1>, vector<1024x96xf32>
    %ge3A = arith.constant 0.000000e+00 : f32
    %ge3A_59 = vector.broadcast %ge3A : f32 to vector<1024x96xf32>
    %ge3A_60 = arith.cmpf oge, %add3A_40, %ge3A_59 : vector<1024x96xf32>
    %lt3A = arith.constant 1.280000e+02 : f32
    %lt3A_61 = vector.broadcast %lt3A : f32 to vector<1024x96xf32>
    %lt3A_62 = arith.cmpf olt, %add3A_40, %lt3A_61 : vector<1024x96xf32>
    %and3A = arith.andi %ge3A_60, %lt3A_62 : vector<1024x96xi1>
    %ge3A_63 = arith.constant 0.000000e+00 : f32
    %ge3A_64 = vector.broadcast %ge3A_63 : f32 to vector<1024x96xf32>
    %ge3A_65 = arith.cmpf oge, %add3A_42, %ge3A_64 : vector<1024x96xf32>
    %and3A_66 = arith.andi %and3A, %ge3A_65 : vector<1024x96xi1>
    %lt3A_67 = arith.constant 1.280000e+02 : f32
    %lt3A_68 = vector.broadcast %lt3A_67 : f32 to vector<1024x96xf32>
    %lt3A_69 = arith.cmpf olt, %add3A_42, %lt3A_68 : vector<1024x96xf32>
    %and3A_70 = arith.andi %and3A_66, %lt3A_69 : vector<1024x96xi1>
    %convert_element_type3A = arith.extui %and3A_70 : vector<1024x96xi1> to vector<1024x96xi32>
    %convert_element_type3A_71 = arith.sitofp %convert_element_type3A : vector<1024x96xi32> to vector<1024x96xf32>
    %mul3A_72 = arith.mulf %select_n3A, %select_n3A_58 : vector<1024x96xf32>
    %mul3A_73 = arith.mulf %mul3A_72, %div3A : vector<1024x96xf32>
    %mul3A_74 = arith.mulf %mul3A_73, %convert_element_type3A_71 : vector<1024x96xf32>
    %swap3A = arith.constant 0 : index
    %swap3A_75 = arith.constant 0 : index
    %swap3A_76 = vector.load %arg12[%swap3A, %swap3A_75] : memref<1024x96xf32, #tpu.memory_space<vmem>>, vector<1024x96xf32>
    tpu.vector_store %arg12[%swap3A, %swap3A_75], %mul3A_74 {strides = array<i32>} : memref<1024x96xf32, #tpu.memory_space<vmem>>, vector<1024x96xf32>,
    %jit3A = arith.constant 0 : i32
    %jit3A_77 = arith.constant 127 : i32
    %convert_element_type3A_78 = arith.sitofp %jit3A : i32 to f32
    %max3A = vector.broadcast %convert_element_type3A_78 : f32 to vector<1024x96xf32>
    %max3A_79 = arith.maximumf %max3A, %add3A_40 : vector<1024x96xf32>
    %convert_element_type3A_80 = arith.sitofp %jit3A_77 : i32 to f32
    %min3A = vector.broadcast %convert_element_type3A_80 : f32 to vector<1024x96xf32>
    %min3A_81 = arith.minimumf %min3A, %max3A_79 : vector<1024x96xf32>
    %convert_element_type3A_82 = arith.fptosi %min3A_81 : vector<1024x96xf32> to vector<1024x96xi32>
    %jit3A_83 = arith.constant 0 : i32
    %jit3A_84 = arith.constant 127 : i32
    %convert_element_type3A_85 = arith.sitofp %jit3A_83 : i32 to f32
    %max3A_86 = vector.broadcast %convert_element_type3A_85 : f32 to vector<1024x96xf32>
    %max3A_87 = arith.maximumf %max3A_86, %add3A_42 : vector<1024x96xf32>
    %convert_element_type3A_88 = arith.sitofp %jit3A_84 : i32 to f32
    %min3A_89 = vector.broadcast %convert_element_type3A_88 : f32 to vector<1024x96xf32>
    %min3A_90 = arith.minimumf %min3A_89, %max3A_87 : vector<1024x96xf32>
    %convert_element_type3A_91 = arith.fptosi %min3A_90 : vector<1024x96xf32> to vector<1024x96xi32>
    %jit3A_92 = arith.constant 16 : i32
    %div3A_93 = arith.divsi %arg0, %jit3A_92 : i32
    %sign3A = arith.constant 0 : i32
    %sign3A_94 = arith.cmpi sgt, %arg0, %sign3A : i32
    %sign3A_95 = arith.extui %sign3A_94 : i1 to i32
    %sign3A_96 = arith.constant 0 : i32
    %sign3A_97 = arith.cmpi slt, %arg0, %sign3A_96 : i32
    %sign3A_98 = arith.extui %sign3A_97 : i1 to i32
    %sign3A_99 = arith.subi %sign3A_95, %sign3A_98 : i32
    %sign3A_100 = arith.constant 0 : i32
    %sign3A_101 = arith.cmpi sgt, %jit3A_92, %sign3A_100 : i32
    %sign3A_102 = arith.extui %sign3A_101 : i1 to i32
    %sign3A_103 = arith.constant 0 : i32
    %sign3A_104 = arith.cmpi slt, %jit3A_92, %sign3A_103 : i32
    %sign3A_105 = arith.extui %sign3A_104 : i1 to i32
    %sign3A_106 = arith.subi %sign3A_102, %sign3A_105 : i32
    %ne3A = arith.cmpi ne, %sign3A_99, %sign3A_106 : i32
    %rem3A = arith.remsi %arg0, %jit3A_92 : i32
    %ne3A_107 = arith.constant 0 : i32
    %ne3A_108 = arith.cmpi ne, %rem3A, %ne3A_107 : i32
    %and3A_109 = arith.andi %ne3A, %ne3A_108 : i1
    %sub3A_110 = arith.constant 1 : i32
    %sub3A_111 = arith.subi %div3A_93, %sub3A_110 : i32
    %select_n3A_112 = arith.select %and3A_109, %sub3A_111, %div3A_93 : i32
    %mul3A_113 = arith.constant 98304 : i32
    %mul3A_114 = arith.muli %select_n3A_112, %mul3A_113 : i32
    %mul3A_115 = arith.constant 128 : i32
    %mul3A_116 = vector.broadcast %mul3A_115 : i32 to vector<1024x96xi32>
    %mul3A_117 = arith.muli %convert_element_type3A_91, %mul3A_116 : vector<1024x96xi32>
    %add3A_118 = arith.addi %mul3A_117, %convert_element_type3A_82 : vector<1024x96xi32>
    %mul3A_119 = arith.constant 6 : i32
    %mul3A_120 = vector.broadcast %mul3A_119 : i32 to vector<1024x96xi32>
    %mul3A_121 = arith.muli %add3A_118, %mul3A_120 : vector<1024x96xi32>
    %add3A_122 = vector.broadcast %mul3A_114 : i32 to vector<1024x96xi32>
    %add3A_123 = arith.addi %add3A_122, %mul3A_121 : vector<1024x96xi32>
    %get3A_124 = arith.constant 0 : index
    %get3A_125 = arith.constant 0 : index
    %get3A_126 = vector.load %arg10[%get3A_124, %get3A_125] : memref<1x96xi32, #tpu.memory_space<vmem>>, vector<1x96xi32>
    %add3A_127 = vector.broadcast %get3A_126 : vector<1x96xi32> to vector<1024x96xi32>
    %add3A_128 = arith.addi %add3A_123, %add3A_127 : vector<1024x96xi32>
    %swap3A_129 = arith.constant 0 : index
    %swap3A_130 = arith.constant 0 : index
    %swap3A_131 = vector.load %arg11[%swap3A_129, %swap3A_130] : memref<1024x96xi32, #tpu.memory_space<vmem>>, vector<1024x96xi32>
    tpu.vector_store %arg11[%swap3A_129, %swap3A_130], %add3A_128 {strides = array<i32>} : memref<1024x96xi32, #tpu.memory_space<vmem>>, vector<1024x96xi32>,
    %get3A_132 = arith.constant 0 : index
    %get3A_133 = arith.constant 0 : index
    %get3A_134 = vector.load %arg2[%get3A_132, %get3A_133] : memref<1024x96xf32, #tpu.memory_space<vmem>>, vector<1024x96xf32>
    %get3A_135 = arith.constant 0 : index
    %get3A_136 = arith.constant 0 : index
    %get3A_137 = vector.load %arg6[%get3A_135, %get3A_136] : memref<96x96xf32, #tpu.memory_space<vmem>>, vector<96x96xf32>
    %dot_general3A_138 = arith.constant dense<0.000000e+00> : vector<1024x96xf32>
    %dot_general3A_139 = tpu.matmul %get3A_134, %get3A_137, %dot_general3A_138 {dimension_numbers = #tpu.dot_dimension_numbers<[1], [0], [0], [1], [0, 0, 1, 1], [], []>, transpose_lhs_hint = false} : vector<1024x96xf32>, vector<96x96xf32>, vector<1024x96xf32> -> vector<1024x96xf32>
    %get3A_140 = arith.constant 0 : index
    %get3A_141 = arith.constant 0 : index
    %get3A_142 = vector.load %arg7[%get3A_140, %get3A_141] : memref<1x96xf32, #tpu.memory_space<vmem>>, vector<1x96xf32>
    %add3A_143 = vector.broadcast %get3A_142 : vector<1x96xf32> to vector<1024x96xf32>
    %add3A_144 = arith.addf %dot_general3A_139, %add3A_143 : vector<1024x96xf32>
    %swap3A_145 = arith.constant 0 : index
    %swap3A_146 = arith.constant 0 : index
    %swap3A_147 = vector.load %arg13[%swap3A_145, %swap3A_146] : memref<1024x96xf32, #tpu.memory_space<vmem>>, vector<1024x96xf32>
    tpu.vector_store %arg13[%swap3A_145, %swap3A_146], %add3A_144 {strides = array<i32>} : memref<1024x96xf32, #tpu.memory_space<vmem>>, vector<1024x96xf32>,
    return
  }
  func.func @transform_0(%arg0: i32) -> (i32, i32) {
    %c0_i32 = arith.constant 0 : i32
    %c0_i32_0 = arith.constant 0 : i32
    return %arg0, %c0_i32 : i32, i32
  }
  func.func @transform_1(%arg0: i32) -> (i32, i32) {
    %c0_i32 = arith.constant 0 : i32
    %c0_i32_0 = arith.constant 0 : i32
    return %arg0, %c0_i32 : i32, i32
  }
  func.func @transform_2(%arg0: i32) -> (i32, i32) {
    %c0_i32 = arith.constant 0 : i32
    %c0_i32_0 = arith.constant 0 : i32
    %c0_i32_1 = arith.constant 0 : i32
    return %c0_i32, %c0_i32_0 : i32, i32
  }
  func.func @transform_3(%arg0: i32) -> (i32, i32) {
    %c0_i32 = arith.constant 0 : i32
    %c0_i32_0 = arith.constant 0 : i32
    %c0_i32_1 = arith.constant 0 : i32
    return %c0_i32, %c0_i32_0 : i32, i32
  }
  func.func @transform_4(%arg0: i32) -> (i32, i32) {
    %c0_i32 = arith.constant 0 : i32
    %c0_i32_0 = arith.constant 0 : i32
    %c0_i32_1 = arith.constant 0 : i32
    return %c0_i32, %c0_i32_0 : i32, i32
  }
  func.func @transform_5(%arg0: i32) -> (i32, i32) {
    %c0_i32 = arith.constant 0 : i32
    %c0_i32_0 = arith.constant 0 : i32
    %c0_i32_1 = arith.constant 0 : i32
    return %c0_i32, %c0_i32_0 : i32, i32
  }
  func.func @transform_6(%arg0: i32) -> (i32, i32) {
    %c0_i32 = arith.constant 0 : i32
    %c0_i32_0 = arith.constant 0 : i32
    %c0_i32_1 = arith.constant 0 : i32
    return %c0_i32, %c0_i32_0 : i32, i32
  }
  func.func @transform_7(%arg0: i32) -> (i32, i32) {
    %c0_i32 = arith.constant 0 : i32
    %c0_i32_0 = arith.constant 0 : i32
    %c0_i32_1 = arith.constant 0 : i32
    return %c0_i32, %c0_i32_0 : i32, i32
  }
  func.func @transform_8(%arg0: i32) -> (i32, i32) {
    %c0_i32 = arith.constant 0 : i32
    %c0_i32_0 = arith.constant 0 : i32
    %c0_i32_1 = arith.constant 0 : i32
    return %c0_i32, %c0_i32_0 : i32, i32
  }
  func.func @transform_9(%arg0: i32) -> (i32, i32) {
    %c0_i32 = arith.constant 0 : i32
    %c0_i32_0 = arith.constant 0 : i32
    %c0_i32_1 = arith.constant 0 : i32
    return %c0_i32, %c0_i32_0 : i32, i32
  }
  func.func @transform_10(%arg0: i32) -> (i32, i32) {
    %c0_i32 = arith.constant 0 : i32
    %c0_i32_0 = arith.constant 0 : i32
    return %arg0, %c0_i32 : i32, i32
  }
  func.func @transform_11(%arg0: i32) -> (i32, i32) {
    %c0_i32 = arith.constant 0 : i32
    %c0_i32_0 = arith.constant 0 : i32
    return %arg0, %c0_i32 : i32, i32
  }
  func.func @transform_12(%arg0: i32) -> (i32, i32) {
    %c0_i32 = arith.constant 0 : i32
    %c0_i32_0 = arith.constant 0 : i32
    return %arg0, %c0_i32 : i32, i32
  }
}

module attributes {stable_mosaic.version = 14 : i64} {
  func.func @_stage3_body(%arg0: i32, %arg1: memref<1024x96xf32, #tpu.memory_space<vmem>>, %arg2: memref<96x96xf32, #tpu.memory_space<vmem>>, %arg3: memref<1x96xf32, #tpu.memory_space<vmem>>, %arg4: memref<1024x96xf32, #tpu.memory_space<vmem>>) attributes {dimension_semantics = [#tpu.dimension_semantics<arbitrary>], iteration_bounds = array<i64: 32>, scalar_prefetch = 0 : i64, scratch_operands = 0 : i64, tpu.core_type = #tpu.core_type<tc>, window_params = [{transform_indices = @transform_0, window_bounds = array<i64: 1024, 96>}, {pipeline_mode = #tpu.pipeline_mode<synchronous>, transform_indices = @transform_1, window_bounds = array<i64: 96, 96>}, {pipeline_mode = #tpu.pipeline_mode<synchronous>, transform_indices = @transform_2, window_bounds = array<i64: 1, 96>}, {transform_indices = @transform_3, window_bounds = array<i64: 1024, 96>}]} {
    %get3A = arith.constant 0 : index
    %get3A_0 = arith.constant 0 : index
    %get3A_1 = vector.load %arg1[%get3A, %get3A_0] : memref<1024x96xf32, #tpu.memory_space<vmem>>, vector<1024x96xf32>
    %get3A_2 = arith.constant 0 : index
    %get3A_3 = arith.constant 0 : index
    %get3A_4 = vector.load %arg2[%get3A_2, %get3A_3] : memref<96x96xf32, #tpu.memory_space<vmem>>, vector<96x96xf32>
    %dot_general3A = arith.constant dense<0.000000e+00> : vector<1024x96xf32>
    %dot_general3A_5 = tpu.matmul %get3A_1, %get3A_4, %dot_general3A {dimension_numbers = #tpu.dot_dimension_numbers<[1], [0], [0], [1], [0, 0, 1, 1], [], []>, transpose_lhs_hint = false} : vector<1024x96xf32>, vector<96x96xf32>, vector<1024x96xf32> -> vector<1024x96xf32>
    %get3A_6 = arith.constant 0 : index
    %get3A_7 = arith.constant 0 : index
    %get3A_8 = vector.load %arg3[%get3A_6, %get3A_7] : memref<1x96xf32, #tpu.memory_space<vmem>>, vector<1x96xf32>
    %add3A = vector.broadcast %get3A_8 : vector<1x96xf32> to vector<1024x96xf32>
    %add3A_9 = arith.addf %dot_general3A_5, %add3A : vector<1024x96xf32>
    %swap3A = arith.constant 0 : index
    %swap3A_10 = arith.constant 0 : index
    %swap3A_11 = vector.load %arg4[%swap3A, %swap3A_10] : memref<1024x96xf32, #tpu.memory_space<vmem>>, vector<1024x96xf32>
    tpu.vector_store %arg4[%swap3A, %swap3A_10], %add3A_9 {strides = array<i32>} : memref<1024x96xf32, #tpu.memory_space<vmem>>, vector<1024x96xf32>,
    return
  }
  func.func @transform_0(%arg0: i32) -> (i32, i32) {
    %c0_i32 = arith.constant 0 : i32
    %c0_i32_0 = arith.constant 0 : i32
    return %arg0, %c0_i32 : i32, i32
  }
  func.func @transform_1(%arg0: i32) -> (i32, i32) {
    %c0_i32 = arith.constant 0 : i32
    %c0_i32_0 = arith.constant 0 : i32
    %c0_i32_1 = arith.constant 0 : i32
    return %c0_i32, %c0_i32_0 : i32, i32
  }
  func.func @transform_2(%arg0: i32) -> (i32, i32) {
    %c0_i32 = arith.constant 0 : i32
    %c0_i32_0 = arith.constant 0 : i32
    %c0_i32_1 = arith.constant 0 : i32
    return %c0_i32, %c0_i32_0 : i32, i32
  }
  func.func @transform_3(%arg0: i32) -> (i32, i32) {
    %c0_i32 = arith.constant 0 : i32
    %c0_i32_0 = arith.constant 0 : i32
    return %arg0, %c0_i32 : i32, i32
  }
}

</mosaic_0001>

<sc_bundles>
// kernel: kernel.5.cloned.1.call-start
scs
__scs_entry_jumppad:
0x0: {  	(pc) =	sbr.rel $0x88, $3  }
0x1: {  	(tag) =	ssettag $0x0;
	lr =	simm.s32 $0x1  }
0x2: {  	[smem:$0x3F97] =	sst lr;
	_ =	strace $0xD0000000  }
0x3: {  	_ = 	snop  }
0x4: {  	_ = 	snop  }
0x5: {  	_ = 	snop  }
0x6: {  	_ = 	snop  }
0x7: {  	_ = 	snop  }
__scs_overlays_trampoline_lowered:
0x8: {  	[smem:$0x3FA6] =	sst s0  }
0x9: {  	[smem:$0x3FA7] =	sst s1  }
0xa: {  	[smem:$0x3FA8] =	sst s2  }
0xb: {  	[smem:$0x3FA9] =	sst s3  }
0xc: {  	[smem:$0x3FAA] =	sst s4  }
0xd: {  	[smem:$0x3FAB] =	sst s5  }
0xe: {  	[smem:$0x3FAC] =	sst s6  }
0xf: {  	[smem:$0x3FAD] =	sst s7  }
0x10: {  	[smem:$0x3FAE] =	sst s8  }
0x11: {  	[smem:$0x3FAF] =	sst s9;
	s0 =	simm.s32 @!p0 $0x0  }
0x12: {  	s1 =	sld [smem:$0x3F95];
	s0 =	simm.s32 @p0 $0x1  }
0x13: {  	[smem:$0x3FB0] =	sst s0;
	s0 =	simm.s32 @!p1 $0x0  }
0x14: {  	s2 =	sld [smem:$0x3F94];
	s0 =	simm.s32 @p1 $0x1  }
0x15: {  	[smem:$0x3FB1] =	sst s0;
	s0 =	simm.s32 @!p2 $0x0  }
0x16: {  	s3 =	sld [smem:$0x3FDB];
	s0 =	simm.s32 @p2 $0x1  }
0x17: {  	s4 =	simm.s32 $0x1BF5;
	[smem:$0x3FB3] =	sst s0  }
0x18: {  	s0 =	sld [smem:$0x3F96];
	_ =	swait.ge [sflag:s4], $0x0  }
0x19: {  	s7 =	sld [smem:$0x3F97]  }
0x1a: {  	s8 =	sadd.s32 $0xFFFFE003, lr  }
0x1b: {  	s9 =	sadd.s32 $0xFFFFFEF7, lr;
	s5 =	simm.s32 $0xFFFFFFFF;
	p2 =	slt.u32 s8, $0xFFFFF086  }
0x1c: {  	p1 =	slt.u32 s9, $0xF7A;
	s5 =	simm.s32 @!p2 $0x0  }
0x1d: {  	s5 =	simm.s32 @p1 $0x1;
	p0 =	seq.s32 s7, s2  }
0x1e: {  	s7 =	smul.u32 @!p0 $0xF7A, s2;
	p2 =	seq.s32 @!p0 s5, $0x0  }
0x1f: {  	s9 =	smul.u32 $0xF7A, s1;
	s8 =	simm.s32 @!p0 $0x1BF5;
	p2 =	por !p2, p0  }
0x20: {  	[sflag:s8] =	ssyncset.s32 @!p0 $0xFFFFF086;
	s6 =	sadd.s32 @!p0 s3, s7;
	s7 =	simm.s32 @!p0 $0x108  }
0x21: {  	s3 =	sadd.s32 s3, s9;
	s6 =	sadd.s32 @!p0 $0x88, s6;
	s7 =	simm.s32 @p2 $0x1082  }
0x22: {  	[simem:s7], [sflag:s8] =	dma.local @!p0 [hbm:s6], $0xF7A  }
0x23: {  	s9 =	sor.u32 $0xD0000000, s2;
	s6 =	simm.s32 $0x108;
	_ =	swait.ge @!p0 [sflag:s8], $0x0  }
0x24: {  	s3 =	sadd.s32 $0x88, s3;
	s6 =	simm.s32 @!p1 $0x1082;
	[sflag:s4] =	ssyncset.s32 $0xFFFFF086  }
0x25: {  	[simem:s6], [sflag:s4] =	dma.local [hbm:s3], $0xF7A  }
0x26: {  	[smem:$0x3F97] =	sst s1;
	(tag) =	ssettag s2;
	_ =	strace s9  }
0x27: {  	s1 =	sld [smem:$0x3FA7]  }
0x28: {  	s2 =	sld [smem:$0x3FA8]  }
0x29: {  	s4 =	sld [smem:$0x3FAA]  }
0x2a: {  	p0 =	seq.s32 s5, $0x0;
	s5 =	sld [smem:$0x3FAB]  }
0x2b: {  	s6 =	sld [smem:$0x3FAC]  }
0x2c: {  	s7 =	sld [smem:$0x3FAD]  }
0x2d: {  	s3 =	simm.s32 $0x108;
	s8 =	sld [smem:$0x3FAE]  }
0x2e: {  	s3 =	simm.s32 @!p0 $0x1082;
	s9 =	sld [smem:$0x3FAF]  }
0x2f: {  	lr =	sadd.s32 s0, s3;
	s0 =	sld [smem:$0x3FA6]  }
0x30: {  	s3 =	sld [smem:$0x3FA9]  }
0x31: {  	[smem:$0x3FB2] =	sst s10  }
0x32: {  	s10 =	sld [smem:$0x3FB0];
	_ =	sdelay $0x3  }
0x33: {  	p0 =	seq.s32 s10, $0x1;
	s10 =	sld [smem:$0x3FB2];
	_ =	sdelay $0x3  }
0x34: {  	[smem:$0x3FB2] =	sst s10  }
0x35: {  	s10 =	sld [smem:$0x3FB1];
	_ =	sdelay $0x3  }
0x36: {  	p1 =	seq.s32 s10, $0x1;
	s10 =	sld [smem:$0x3FB2];
	_ =	sdelay $0x3  }
0x37: {  	[smem:$0x3FB2] =	sst s10  }
0x38: {  	s10 =	sld [smem:$0x3FB3]  }
0x39: {  	_ = 	snop;
	(pc) =	sbr.ind lr, $3  }
0x3a: {  	_ = 	snop  }
0x3b: {  	_ = 	snop  }
0x3c: {  	p2 =	seq.s32 s10, $0x1;
	s10 =	sld [smem:$0x3FB2]  }
0x3d: {  	_ =	shalt  }
0x3e: {  	_ =	shalt  }
0x3f: {  	_ =	shalt  }
0x40: {  	_ =	shalt  }
0x41: {  	_ =	shalt  }
0x42: {  	_ =	shalt  }
0x43: {  	_ =	shalt  }
0x44: {  	_ =	shalt  }
0x45: {  	_ =	shalt  }
0x46: {  	_ =	shalt  }
0x47: {  	_ =	shalt  }
0x48: {  	_ =	shalt  }
0x49: {  	_ =	shalt  }
0x4a: {  	_ =	shalt  }
0x4b: {  	_ =	shalt  }
0x4c: {  	_ =	shalt  }
0x4d: {  	_ =	shalt  }
0x4e: {  	_ =	shalt  }
0x4f: {  	_ =	shalt  }
0x50: {  	_ =	shalt  }
0x51: {  	_ =	shalt  }
0x52: {  	_ =	shalt  }
0x53: {  	_ =	shalt  }
0x54: {  	_ =	shalt  }
0x55: {  	_ =	shalt  }
0x56: {  	_ =	shalt  }
0x57: {  	_ =	shalt  }
0x58: {  	_ =	shalt  }
0x59: {  	_ =	shalt  }
0x5a: {  	_ =	shalt  }
0x5b: {  	_ =	shalt  }
0x5c: {  	_ =	shalt  }
0x5d: {  	_ =	shalt  }
0x5e: {  	_ =	shalt  }
0x5f: {  	_ =	shalt  }
0x60: {  	_ =	shalt  }
0x61: {  	_ =	shalt  }
0x62: {  	_ =	shalt  }
0x63: {  	_ =	shalt  }
0x64: {  	_ =	shalt  }
0x65: {  	_ =	shalt  }
0x66: {  	_ =	shalt  }
0x67: {  	_ =	shalt  }
0x68: {  	_ =	shalt  }
0x69: {  	_ =	shalt  }
0x6a: {  	_ =	shalt  }
0x6b: {  	_ =	shalt  }
0x6c: {  	_ =	shalt  }
0x6d: {  	_ =	shalt  }
0x6e: {  	_ =	shalt  }
0x6f: {  	_ =	shalt  }
0x70: {  	_ =	shalt  }
0x71: {  	_ =	shalt  }
0x72: {  	_ =	shalt  }
0x73: {  	_ =	shalt  }
0x74: {  	_ =	shalt  }
0x75: {  	_ =	shalt  }
0x76: {  	_ =	shalt  }
0x77: {  	_ =	shalt  }
0x78: {  	_ =	shalt  }
0x79: {  	_ =	shalt  }
0x7a: {  	_ =	shalt  }
0x7b: {  	_ =	shalt  }
0x7c: {  	_ =	shalt  }
0x7d: {  	_ =	shalt  }
0x7e: {  	_ =	shalt  }
0x7f: {  	_ =	shalt  }
0x80: {  	_ =	shalt  }
0x81: {  	_ =	shalt  }
0x82: {  	_ =	shalt  }
0x83: {  	_ =	shalt  }
0x84: {  	_ =	shalt  }
0x85: {  	_ =	shalt  }
0x86: {  	_ =	shalt  }
0x87: {  	_ =	shalt  }
.Lfunc_end0:
.L_simem_size_0:
called_computation_lowered:
.L_overlay_start_0:
0x88: {  	s2 =	sld [smem:$0x3FD9]  }
0x89: {  	s3 =	sld [smem:$0x3FFE];
	_ =	sdelay $0x1  }
0x8a: {  	s1 =	srdreg.scid  }
0x8b: {  	s0 =	sand.u32 $0x1, s1  }
0x8c: {  	s17 =	sshll.u32 s0, $0xA;
	s2 =	sadd.s32 s3, s2  }
0x8d: {  	s2 =	sadd.s32 s2, s17  }
0x8e: {  	[smem:$0x3FBE] =	sst s2  }
0x8f: {  	_ = 	snop  }
0x90: {  	s2 =	sld [smem:$0x3FD0];
	(tm) =	ssettm $0x1  }
0x91: {  	s18 =	sld [smem:$0x3FFB];
	_ =	sdelay $0x3  }
0x92: {  	_ =	strace s18  }
0x93: {  	s3 =	sld [smem:$0x3FFC];
	_ =	sdelay $0x3  }
0x94: {  	_ =	strace s3  }
0x95: {  	s3 =	sld [smem:$0x3FFD];
	_ =	sdelay $0x3  }
0x96: {  	_ =	strace s3  }
0x97: {  	_ =	strace $0x8FFFFFFF  }
0x98: {  	s19 =	sld [smem:$0x3FDB];
	_ =	sdelay $0x1  }
0x99: {  	s4 =	simm.s32 $_scs_section_size  }
0x9a: {  	s5 =	simm.s32 $_size__tile_overlayer_lowered;
	s6 =	simm.s32 $_tile_overlayer_lowered  }
0x9b: {  	s22 =	simm.s32 $0x1BFF;
	s21 =	sshll.u32 s6, $0x1;
	s3 =	sadd.s32 s4, s19  }
0x9c: {  	s7 =	simm.s32 $0x0;
	s20 =	sshll.u32 s5, $0x1;
	s5 =	sadd.s32 s21, s3  }
0x9d: {  	[timem:s7], [sflag:s22] =	dma.local [hbm:s5], s20  }
0x9e: {  	_ =	swait.ge [sflag:s22], s20  }
0x9f: {  	s4 =	ssub.s32 $0x0, s20;
	[sflag:s22] =	ssyncset.done $0x0  }
0xa0: {  	[sflag:s22] =	ssyncadd.s32 s4;
	_ =	sdelay $0x1  }
0xa1: {  	s23 =	simm.s32 $0x1B8B  }
0xa2: {  	_ =	swait.ge [sflag:s23], $0x1  }
0xa3: {  	[sflag:s23] =	ssyncset.done $0x0  }
0xa4: {  	s25 =	simm.s32 $0x1B8E;
	s24 =	sld [smem:$0x3FFE];
	[sflag:s23] =	ssyncadd.s32 $0xFFFFFFFF  }
0xa5: {  	s26 =	simm.s32 $execute0_lowered;
	[smem:$0x3FD2] =	sst s25  }
0xa6: {  	s5 =	sshll.u32 s26, $0x1;
	_ =	strace $0x80000046;
	[dreg:$0x1] =	wrdreg $0xFFFFFFFF  }
0xa7: {  	s28 =	simm.s32 $_size_execute0_lowered;
	s3 =	sadd.s32 s3, s5;
	[dreg:$0x0] =	wrdreg $0x0  }
0xa8: {  	s5 =	sshll.u32 s28, $0x1;
	[dreg:$0x2] =	wrdreg s3  }
0xa9: {  	[dreg:$0x3] =	wrdreg s5  }
0xaa: {  	[dreg:$0x4] =	wrdreg $0xC0  }
0xab: {  	_ =	task [dreg:s7], $0x5FFFF  }
0xac: {  	[dreg:$0x1] =	wrdreg $0xFFFFFFFF  }
0xad: {  	[dreg:$0x0] =	wrdreg $0x60  }
0xae: {  	[dreg:$0x2] =	wrdreg s2  }
0xaf: {  	[dreg:$0x3] =	wrdreg s24  }
0xb0: {  	[dreg:$0x4] =	wrdreg $0x9  }
0xb1: {  	_ =	task.clear_ibuf [dreg:s7], $0x5FFFF;
	_ =	strace $0x90000046  }
0xb2: {  	s29 =	simm.s32 $0x9;
	_ =	strace $0x80000048  }
0xb3: {  	_ =	swait.ge [sflag:s29], $0x1  }
0xb4: {  	[sflag:s29] =	ssyncadd.s32 $0xFFFFFFFF  }
0xb5: {  	_ =	strace $0x90000048  }
0xb6: {  	_ =	sfence  }
0xb7: {  	s30 =	sld [smem:$0x0];
	_ =	sdelay $0x2  }
0xb8: {  	s31 =	sshll.u32 s1, $0xD;
	s1 =	sshrl.u32 s1, $0x2  }
0xb9: {  	s3 =	sand.u32 $0x4000, s31;
	s1 =	sadd.s32 s1, s30  }
0xba: {  	s0 =	sor.u32 s3, s0;
	s1 =	sshll.u32 s1, $0x11  }
0xbb: {  	s0 =	sor.u32 s1, s0  }
0xbc: {  	s0 =	sadd.s32 $0x8F2B, s0  }
0xbd: {  	[sflag:s0] =	ssyncadd.remote.s32 $0x1  }
0xbe: {  	_ =	sfence.sel $0xFFFF  }
0xbf: {  	[dreg:$0x0] =	wrdreg $0xFFFFFFFF;
	(pc) =	sbr.abs _section_cstart, $3  }
0xc0: {  	[dreg:$0x1] =	wrdreg $0xFFFFFFFF  }
0xc1: {  	_ =	task.clear_ibuf [dreg:s7], $0x2FFFF;
	_ =	strace $0x9FFFFFFF  }
0xc2: {  	(tm) =	ssettm $0x7FFFFFFF  }
0xc3: {  	_ =	shalt  }
tec
execute0_lowered:
.L_overlay_start_1:
0x0: {  	(tag) =	ssettag $0x1  }
0x1: {  	s1 =	rddreg [dreg:$0x0]  }
0x2: {  	s0 =	rddreg [dreg:$0x1];
	s3 =	simm.s32 $0x0;
	s2 =	srdreg.scid  }
0x3: {  	s5 =	stileid.u32;
	s9 =	simm.s32 $0x2;
	s10 =	simm.s32 $0x80  }
0x4: {  	s23 =	simm.s32 $0x380;
	s24 =	simm.s32 $0x7800;
	s28 =	simm.s32 $0x9000  }
0x5: {  	s29 =	simm.s32 $0x9800;
	s30 =	simm.s32 $0xA000;
	s31 =	simm.s32 $0xA800  }
0x6: {  	s8 =	simm.s32 $0x1;
	s12 =	simm.s32 $0x0;
	[smem:$0x7FF] =	sst s3  }
0x7: {  	s2 =	sand.u32 $0x1, s2;
	s4 =	sadd.s32 $0x2600, s0;
	s7 =	sshll.u32 s5, $0x1  }
0x8: {  	s5 =	sadd.s32 $0x62600, s0;
	s25 =	ssub.s32 $0x2, s2;
	s2 =	sor.u32 s2, s7  }
0x9: {  	_ =	strace $0x80000047;
	s6 =	sshrl.u32 s25, $0x1;
	s7 =	smul.u32 $0x3000, s2  }
0xa: {  	s2 =	simm.s32 $0xC000;
	s3 =	ssub.s32 s25, s6;
	s6 =	sadd.s32 $0xC2600, s0  }
0xb: {  	s25 =	simm.s32 $0x8000;
	s0 =	simm.s32 $0xB000;
	s26 =	smax.u32 s3, $0x1  }
0xc: {  	s3 =	simm.s32 $0xB800;
	[dreg:$0x3] =	wrdreg s26;
	s26 =	simm.s32 $0x8800  }
.LBB2_1:
0xd: {  	[dreg:$0x4] =	wrdreg s12;
	s11 =	simm.s32 $0x0  }
.LBB2_2:
0xe: {  	s12 =	sshll.u32 s11, $0xA  }
0xf: {  	s12 =	sadd.s32 s7, s12  }
0x10: {  	s13 =	simm.s32 $0x0;
	s14 =	sadd.s32 s4, s12  }
0x11: {  	[tilespmem:s13], [sflag:$0x2] =	stream.linear.gather [hbm4b:s14+s13], $0x2000, $0x38;
	[tilespmem:$0xE000] =	vst v63  }
0x12: {  	_ =	swait.ge [sflag:s9], $0x2000  }
0x13: {  	[sflag:s9] =	ssyncset.done $0x0  }
0x14: {  	s15 =	sadd.s32 s5, s12;
	s14 =	simm.s32 $0x2000;
	[sflag:s9] =	ssyncadd.s32 $0xFFFFE000  }
0x15: {  	[tilespmem:s14], [sflag:$0x2] =	stream.linear.gather [hbm4b:s15+s13], $0x2000, $0x38;
	[tilespmem:$0xE000] =	vst v63  }
0x16: {  	_ =	swait.ge [sflag:s9], $0x2000  }
0x17: {  	[sflag:s9] =	ssyncset.done $0x0  }
0x18: {  	s18 =	simm.s32 $0x4000;
	[sflag:s9] =	ssyncadd.s32 $0xFFFFE000  }
0x19: {  	[tilespmem:s18], [sflag:$0x1] =	stream.indirect.gather [hbm4b:s1+s10], $0x10, s13, s10, $0xb8;
	[tilespmem:$0xE000] =	vst v63  }
0x1a: {  	s19 =	simm.s32 $0x4800  }
0x1b: {  	[tilespmem:s19], [sflag:$0x1] =	stream.indirect.gather [hbm4b:s1+s10], $0x10, s10, s10, $0xb8;
	[tilespmem:$0xE000] =	vst v63  }
0x1c: {  	s20 =	simm.s32 $0x100;
	s16 =	simm.s32 $0x5000  }
0x1d: {  	[tilespmem:s16], [sflag:$0x1] =	stream.indirect.gather [hbm4b:s1+s10], $0x10, s20, s10, $0xb8;
	[tilespmem:$0xE000] =	vst v63  }
0x1e: {  	s21 =	simm.s32 $0x180;
	s22 =	simm.s32 $0x5800  }
0x1f: {  	[tilespmem:s22], [sflag:$0x1] =	stream.indirect.gather [hbm4b:s1+s10], $0x10, s21, s10, $0xb8;
	[tilespmem:$0xE000] =	vst v63  }
0x20: {  	s17 =	simm.s32 $0x200;
	s18 =	simm.s32 $0x6000  }
0x21: {  	[tilespmem:s18], [sflag:$0x1] =	stream.indirect.gather [hbm4b:s1+s10], $0x10, s17, s10, $0xb8;
	[tilespmem:$0xE000] =	vst v63  }
0x22: {  	s19 =	simm.s32 $0x280;
	s20 =	simm.s32 $0x6800  }
0x23: {  	[tilespmem:s20], [sflag:$0x1] =	stream.indirect.gather [hbm4b:s1+s10], $0x10, s19, s10, $0xb8;
	[tilespmem:$0xE000] =	vst v63  }
0x24: {  	s21 =	simm.s32 $0x300;
	s22 =	simm.s32 $0x7000  }
0x25: {  	[tilespmem:s22], [sflag:$0x1] =	stream.indirect.gather [hbm4b:s1+s10], $0x10, s21, s10, $0xb8;
	[tilespmem:$0xE000] =	vst v63  }
0x26: {  	s15 =	simm.s32 $0xC000;
	s16 =	simm.s32 $0xC400;
	s17 =	simm.s32 $0x2400  }
0x27: {  	[tilespmem:s24], [sflag:$0x1] =	stream.indirect.gather [hbm4b:s1+s10], $0x10, s23, s10, $0xb8;
	[tilespmem:$0xE000] =	vst v63  }
.LBB2_3:
0x28: {  	s18 =	sshll.u32 s13, $0xB  }
0x29: {  	s18 =	sor.u32 $0x400, s18  }
0x2a: {  	s18 =	sand.u32 $0x3FFFFC00, s18  }
0x2b: {  	[tilespmem:s25], [sflag:$0x1] =	stream.indirect.gather [hbm4b:s1+s10], $0x10, s18, s10, $0xb8;
	[tilespmem:$0xE000] =	vst v63  }
0x2c: {  	s19 =	sor.u32 $0x80, s18  }
0x2d: {  	[tilespmem:s26], [sflag:$0x1] =	stream.indirect.gather [hbm4b:s1+s10], $0x10, s19, s10, $0xb8;
	[tilespmem:$0xE000] =	vst v63  }
0x2e: {  	s21 =	sor.u32 $0x100, s18  }
0x2f: {  	[tilespmem:s28], [sflag:$0x1] =	stream.indirect.gather [hbm4b:s1+s10], $0x10, s21, s10, $0xb8;
	[tilespmem:$0xE000] =	vst v63  }
0x30: {  	s22 =	sor.u32 $0x180, s18  }
0x31: {  	[tilespmem:s29], [sflag:$0x1] =	stream.indirect.gather [hbm4b:s1+s10], $0x10, s22, s10, $0xb8;
	[tilespmem:$0xE000] =	vst v63  }
0x32: {  	s20 =	sor.u32 $0x200, s18  }
0x33: {  	[tilespmem:s30], [sflag:$0x1] =	stream.indirect.gather [hbm4b:s1+s10], $0x10, s20, s10, $0xb8;
	[tilespmem:$0xE000] =	vst v63  }
0x34: {  	s21 =	sor.u32 $0x280, s18  }
0x35: {  	[tilespmem:s31], [sflag:$0x1] =	stream.indirect.gather [hbm4b:s1+s10], $0x10, s21, s10, $0xb8;
	[tilespmem:$0xE000] =	vst v63  }
0x36: {  	s22 =	sor.u32 $0x300, s18  }
0x37: {  	[tilespmem:s0], [sflag:$0x1] =	stream.indirect.gather [hbm4b:s1+s10], $0x10, s22, s10, $0xb8;
	[tilespmem:$0xE000] =	vst v63  }
0x38: {  	v0 =	vmov s14;
	s18 =	sor.u32 $0x380, s18  }
0x39: {  	[tilespmem:s3], [sflag:$0x1] =	stream.indirect.gather [hbm4b:s1+s10], $0x10, s18, s10, $0xb8;
	[tilespmem:$0xE000] =	vst v63  }
0x3a: {  	_ =	swait.ge [sflag:s8], $0x4000  }
0x3b: {  	[sflag:s8] =	ssyncset.done $0x0  }
0x3c: {  	s18 =	simm.s32 $0x0;
	[sflag:s8] =	ssyncadd.s32 $0xFFFFC000  }
0x3d: {  	s19 =	simm.s32 $0x4100;
	v1 =	vld.idx.msk [tilespmem:v0+s18+$0x0 ss:$0x1], $0xffff  }
0x3e: {  	v3 =	vld [tilespmem:s19+$0xFFFFFFE0]  }
0x3f: {  	v4 =	vld [tilespmem:s19+$0xFFFFFF00]  }
0x40: {  	v5 =	vld [tilespmem:s19+$0xFFFFFF20]  }
0x41: {  	v6 =	vld [tilespmem:s19+$0xFFFFFFB0]  }
0x42: {  	v8 =	vld [tilespmem:s19+$0xFFFFFF60];
	v7 =	vbroadcast v1, $0x0;
	v9 =	vbroadcast v1, $0xF  }
0x43: {  	v12 =	vld [tilespmem:s19+$0xFFFFFFF0];
	v10 =	vbroadcast v1, $0x2;
	v11 =	vbroadcast v1, $0x6  }
0x44: {  	v14 =	vld [tilespmem:s19+$0xFFFFFF10];
	v13 =	vbroadcast v1, $0x7;
	v54 =	vbroadcast v1, $0x4  }
0x45: {  	v16 =	vld [tilespmem:s19+$0xFFFFFF70];
	v15 =	vbroadcast v1, $0x3;
	v17 =	vbroadcast v1, $0xA  }
0x46: {  	v18 =	vld [tilespmem:s19+$0xFFFFFF40];
	v55 =	vbroadcast v1, $0xB;
	v19 =	vbroadcast v1, $0x1  }
0x47: {  	v20 =	vld [tilespmem:s19+$0xFFFFFFA0];
	v56 =	vbroadcast v1, $0x5;
	v21 =	vbroadcast v1, $0xD  }
0x48: {  	v58 =	vld [tilespmem:s19+$0xFFFFFF50];
	v59 =	vbroadcast v1, $0xC;
	v61 =	vbroadcast v1, $0x9  }
0x49: {  	v22 =	vld [tilespmem:s19+$0xFFFFFFD0];
	v62 =	vbroadcast v1, $0xE;
	v1 =	vbroadcast v1, $0x8  }
0x4a: {  	v60 =	vld [tilespmem:s19+$0xFFFFFF80];
	v4 =	vmul.f32 v7, v4;
	v5 =	vmul.f32 v5, v10  }
0x4b: {  	v7 =	vld [tilespmem:s19+$0xFFFFFF30];
	v8 =	vmul.f32 v8, v11;
	v9 =	vmul.f32 v12, v9  }
0x4c: {  	v2 =	vld [tilespmem:s19+$0xFFFFFF90];
	v14 =	vmul.f32 v14, v19;
	v13 =	vmul.f32 v16, v13  }
0x4d: {  	v57 =	vld [tilespmem:s19+$0xFFFFFFC0];
	v10 =	vmul.f32 v18, v54;
	v6 =	vmul.f32 v6, v55  }
0x4e: {  	v17 =	vmul.f32 v20, v17;
	v12 =	vmul.f32 v58, v56  }
0x4f: {  	v63 =	vmul.f32 v22, v21;
	v3 =	vmul.f32 v3, v62  }
0x50: {  	v1 =	vmul.f32 v60, v1;
	v7 =	vmul.f32 v7, v15  }
0x51: {  	v2 =	vmul.f32 v2, v61;
	v4 =	vadd.f32 v14, v4;
	v8 =	vadd.f32 v13, v8  }
0x52: {  	v6 =	vadd.f32 v6, v17;
	v5 =	vadd.f32 v7, v5;
	v7 =	vmul.f32 v57, v59  }
0x53: {  	v10 =	vadd.f32 v12, v10;
	v3 =	vadd.f32 v9, v3  }
0x54: {  	v1 =	vadd.f32 v2, v1;
	v7 =	vadd.f32 v63, v7  }
0x55: {  	v2 =	vadd.f32 v5, v4;
	v4 =	vadd.f32 v8, v10  }
0x56: {  	v5 =	vadd.f32 v6, v1;
	v3 =	vadd.f32 v3, v7  }
0x57: {  	v1 =	vmov s15  }
0x58: {  	v2 =	vadd.f32 v4, v2;
	v3 =	vadd.f32 v3, v5;
	_ =	sdelay $0x1  }
0x59: {  	v2 =	vadd.f32 v3, v2;
	_ =	sdelay $0x1  }
0x5a: {  	[tilespmem:v1+s18+$0x0 ss:$0x1] =	vst.idx.msk $0xffff, v2  }
0x5b: {  	v4 =	vld.idx.msk [tilespmem:v0+s18+$0x10 ss:$0x1], $0xffff  }
0x5c: {  	v6 =	vld [tilespmem:s19+$0x40]  }
0x5d: {  	v5 =	vld [tilespmem:s19+$0xF0]  }
0x5e: {  	v3 =	vld [tilespmem:s19+$0x30]  }
0x5f: {  	s20 =	simm.s32 $0x80;
	s21 =	simm.s32 $0x4100;
	v2 =	vld [tilespmem:s19+$0xA0]  }
.LBB2_4:
0x60: {  	p0 =	sne.s32 s20, $0xF80  }
0x61: {  	v7 =	vld [tilespmem:s19+$0x70];
	s21 =	sadd.s32 $0x200, s21;
	s22 =	smov.u32 s20;
	s20 =	sadd.s32 $0x80, s20  }
0x62: {  	v8 =	vbroadcast v4, $0x0;
	v9 =	vbroadcast v4, $0x1;
	v10 =	vld [tilespmem:s19+$0x60]  }
0x63: {  	v12 =	vbroadcast v4, $0x2;
	v13 =	vbroadcast v4, $0xF;
	v11 =	vld [tilespmem:s19+$0x20]  }
0x64: {  	v14 =	vbroadcast v4, $0x4;
	v15 =	vbroadcast v4, $0x5;
	v16 =	vld [tilespmem:s19+$0xB0]  }
0x65: {  	v17 =	vbroadcast v4, $0x6;
	v19 =	vbroadcast v4, $0xD;
	v18 =	vld [tilespmem:s19+$0x80]  }
0x66: {  	v20 =	vbroadcast v4, $0xA;
	v6 =	vmul.f32 v6, v14;
	v14 =	vld [tilespmem:s19+$0x90]  }
0x67: {  	v21 =	vbroadcast v4, $0x3;
	v10 =	vmul.f32 v10, v17;
	v17 =	vld [tilespmem:s19+$0xC0]  }
0x68: {  	v5 =	vmul.f32 v5, v13;
	v22 =	vld [tilespmem:s19+$0x10];
	v11 =	vmul.f32 v11, v12  }
0x69: {  	v23 =	vbroadcast v4, $0xB;
	v13 =	vbroadcast v4, $0x9;
	v12 =	vld [tilespmem:s19+$0x50]  }
0x6a: {  	v24 =	vbroadcast v4, $0x7;
	v25 =	vbroadcast v4, $0x8;
	v26 =	vld [tilespmem:s19+$0xD0]  }
0x6b: {  	v27 =	vld [tilespmem:s19+$0x0];
	v13 =	vmul.f32 v14, v13;
	v14 =	vmul.f32 v16, v23  }
0x6c: {  	v7 =	vmul.f32 v7, v24;
	v16 =	vbroadcast v4, $0xC;
	v23 =	vld [tilespmem:s19+$0xE0];
	s19 =	smov.u32 s21  }
0x6d: {  	v18 =	vmul.f32 v18, v25;
	v4 =	vbroadcast v4, $0xE  }
0x6e: {  	v7 =	vadd.f32 v7, v10;
	v12 =	vmul.f32 v12, v15;
	v15 =	vmul.f32 v17, v16  }
0x6f: {  	v9 =	vmul.f32 v22, v9;
	v13 =	vadd.f32 v13, v18;
	v10 =	vmul.f32 v26, v19  }
0x70: {  	v3 =	vmul.f32 v3, v21;
	v8 =	vmul.f32 v8, v27;
	v6 =	vadd.f32 v12, v6  }
0x71: {  	v2 =	vmul.f32 v2, v20;
	v4 =	vmul.f32 v23, v4;
	v10 =	vadd.f32 v10, v15  }
0x72: {  	v3 =	vadd.f32 v3, v11;
	v8 =	vadd.f32 v9, v8  }
0x73: {  	v2 =	vadd.f32 v14, v2;
	v4 =	vadd.f32 v5, v4  }
0x74: {  	v5 =	vadd.f32 v7, v6;
	v3 =	vadd.f32 v3, v8  }
0x75: {  	v2 =	vadd.f32 v2, v13;
	v4 =	vadd.f32 v4, v10;
	_ =	sdelay $0x1  }
0x76: {  	v3 =	vadd.f32 v5, v3;
	v2 =	vadd.f32 v4, v2;
	_ =	sdelay $0x1  }
0x77: {  	v2 =	vadd.f32 v2, v3;
	_ =	sdelay $0x1  }
0x78: {  	[tilespmem:v1+s18+$0x10 ss:$0x1] =	vst.idx.msk $0xffff, v2;
	s18 =	sshra.s32 s22, $0x2  }
0x79: {  	v2 =	vld.idx.msk [tilespmem:v0+s18+$0x0 ss:$0x1], $0xffff  }
0x7a: {  	v3 =	vld [tilespmem:s21+$0xFFFFFF90]  }
0x7b: {  	v4 =	vld [tilespmem:s21+$0xFFFFFFE0]  }
0x7c: {  	v5 =	vld [tilespmem:s21+$0xFFFFFF00]  }
0x7d: {  	v6 =	vld [tilespmem:s21+$0xFFFFFF20]  }
0x7e: {  	v7 =	vld [tilespmem:s21+$0xFFFFFFB0]  }
0x7f: {  	v8 =	vbroadcast v2, $0x0;
	v10 =	vbroadcast v2, $0xF;
	v9 =	vld [tilespmem:s21+$0xFFFFFF60]  }
0x80: {  	v11 =	vbroadcast v2, $0x2;
	v12 =	vbroadcast v2, $0x6;
	v13 =	vld [tilespmem:s21+$0xFFFFFFF0]  }
0x81: {  	v14 =	vbroadcast v2, $0x7;
	v5 =	vmul.f32 v8, v5;
	v8 =	vld [tilespmem:s21+$0xFFFFFF30]  }
0x82: {  	v15 =	vld [tilespmem:s21+$0xFFFFFF10];
	v6 =	vmul.f32 v6, v11;
	v11 =	vbroadcast v2, $0x4  }
0x83: {  	v16 =	vbroadcast v2, $0x3;
	v18 =	vbroadcast v2, $0xA;
	v17 =	vld [tilespmem:s21+$0xFFFFFF70]  }
0x84: {  	v19 =	vld [tilespmem:s21+$0xFFFFFF40];
	v9 =	vmul.f32 v9, v12;
	v12 =	vbroadcast v2, $0xB  }
0x85: {  	v20 =	vbroadcast v2, $0x1;
	v21 =	vld [tilespmem:s21+$0xFFFFFFA0];
	v10 =	vmul.f32 v13, v10  }
0x86: {  	v13 =	vbroadcast v2, $0x5;
	v8 =	vmul.f32 v8, v16;
	v16 =	vld [tilespmem:s21+$0xFFFFFFC0]  }
0x87: {  	v22 =	vbroadcast v2, $0xD;
	v15 =	vmul.f32 v15, v20;
	v20 =	vld [tilespmem:s21+$0xFFFFFF50]  }
0x88: {  	v14 =	vmul.f32 v17, v14;
	v17 =	vbroadcast v2, $0xC;
	v23 =	vld [tilespmem:s21+$0xFFFFFFD0];
	v6 =	vadd.f32 v8, v6  }
0x89: {  	v7 =	vmul.f32 v7, v12;
	v8 =	vmul.f32 v19, v11;
	v11 =	vld [tilespmem:s21+$0xFFFFFF80];
	v5 =	vadd.f32 v15, v5  }
0x8a: {  	v12 =	vbroadcast v2, $0x9;
	v15 =	vmul.f32 v21, v18;
	v9 =	vadd.f32 v14, v9  }
0x8b: {  	v14 =	vmul.f32 v16, v17;
	v16 =	vbroadcast v2, $0xE;
	v5 =	vadd.f32 v6, v5  }
0x8c: {  	v2 =	vbroadcast v2, $0x8;
	v6 =	vmul.f32 v20, v13;
	v7 =	vadd.f32 v7, v15  }
0x8d: {  	v13 =	vmul.f32 v23, v22;
	v4 =	vmul.f32 v4, v16  }
0x8e: {  	v3 =	vmul.f32 v3, v12;
	v2 =	vmul.f32 v11, v2;
	v6 =	vadd.f32 v6, v8  }
0x8f: {  	v8 =	vadd.f32 v13, v14;
	v4 =	vadd.f32 v10, v4  }
0x90: {  	v2 =	vadd.f32 v3, v2;
	v3 =	vadd.f32 v9, v6  }
0x91: {  	v4 =	vadd.f32 v4, v8  }
0x92: {  	v2 =	vadd.f32 v7, v2;
	v3 =	vadd.f32 v3, v5;
	_ =	sdelay $0x1  }
0x93: {  	v2 =	vadd.f32 v4, v2;
	_ =	sdelay $0x1  }
0x94: {  	v2 =	vadd.f32 v2, v3;
	_ =	sdelay $0x1  }
0x95: {  	[tilespmem:v1+s18+$0x0 ss:$0x1] =	vst.idx.msk $0xffff, v2  }
.Ltmp0:
0x96: {  	v4 =	vld.idx.msk [tilespmem:v0+s18+$0x10 ss:$0x1], $0xffff;
	(pc) =	sbr.rel @p0 .LBB2_4-.Ltmp0, $4  }
0x97: {  	v6 =	vld [tilespmem:s21+$0x40]  }
0x98: {  	v5 =	vld [tilespmem:s21+$0xF0]  }
0x99: {  	v3 =	vld [tilespmem:s21+$0x30]  }
0x9a: {  	v2 =	vld [tilespmem:s21+$0xA0]  }
0x9b: {  	v0 =	vld [tilespmem:s19+$0x70];
	v7 =	vbroadcast v4, $0x0;
	v8 =	vbroadcast v4, $0x1  }
0x9c: {  	v9 =	vld [tilespmem:s19+$0x60];
	v11 =	vbroadcast v4, $0x2;
	v12 =	vbroadcast v4, $0xF  }
0x9d: {  	v10 =	vld [tilespmem:s19+$0x20];
	v13 =	vbroadcast v4, $0x4;
	v14 =	vbroadcast v4, $0x5  }
0x9e: {  	v15 =	vld [tilespmem:s19+$0xB0];
	v16 =	vbroadcast v4, $0x6;
	v18 =	vbroadcast v4, $0xD  }
0x9f: {  	v17 =	vld [tilespmem:s19+$0x80];
	v19 =	vbroadcast v4, $0xA;
	v20 =	vbroadcast v4, $0x3  }
0xa0: {  	v31 =	vld [tilespmem:s19+$0x90];
	v34 =	vbroadcast v4, $0x9;
	v22 =	vbroadcast v4, $0xB  }
0xa1: {  	v32 =	vld [tilespmem:s19+$0xC0];
	v23 =	vbroadcast v4, $0x7;
	v24 =	vbroadcast v4, $0x8  }
0xa2: {  	v21 =	vld [tilespmem:s19+$0x10];
	v36 =	vbroadcast v4, $0xC;
	v4 =	vbroadcast v4, $0xE  }
0xa3: {  	v33 =	vld [tilespmem:s19+$0x50];
	v6 =	vmul.f32 v6, v13;
	v5 =	vmul.f32 v5, v12  }
0xa4: {  	v25 =	vld [tilespmem:s19+$0xD0];
	v3 =	vmul.f32 v3, v20;
	v2 =	vmul.f32 v2, v19  }
0xa5: {  	v26 =	vld [tilespmem:s19+$0x0];
	v9 =	vmul.f32 v9, v16;
	v10 =	vmul.f32 v10, v11  }
0xa6: {  	v37 =	vld [tilespmem:s19+$0xE0];
	v12 =	vmul.f32 v31, v34;
	v35 =	vmul.f32 v15, v22  }
0xa7: {  	v0 =	vmul.f32 v0, v23;
	v17 =	vmul.f32 v17, v24  }
0xa8: {  	v11 =	vmul.f32 v33, v14;
	v38 =	vmul.f32 v32, v36  }
0xa9: {  	v8 =	vmul.f32 v21, v8;
	v39 =	vmul.f32 v25, v18  }
0xaa: {  	v7 =	vmul.f32 v7, v26;
	v0 =	vadd.f32 v0, v9;
	v12 =	vadd.f32 v12, v17  }
0xab: {  	v4 =	vmul.f32 v37, v4;
	v6 =	vadd.f32 v11, v6;
	v9 =	vadd.f32 v39, v38  }
0xac: {  	v7 =	vadd.f32 v8, v7;
	v3 =	vadd.f32 v3, v10  }
0xad: {  	v2 =	vadd.f32 v35, v2;
	v4 =	vadd.f32 v5, v4  }
0xae: {  	v3 =	vadd.f32 v3, v7;
	v0 =	vadd.f32 v0, v6  }
0xaf: {  	v2 =	vadd.f32 v2, v12;
	v4 =	vadd.f32 v4, v9;
	_ =	sdelay $0x1  }
0xb0: {  	v0 =	vadd.f32 v0, v3;
	v2 =	vadd.f32 v4, v2  }
0xb1: {  	p0 =	seq.s32 s13, $0x3  }
0xb2: {  	s19 =	sshll.u32 @!p0 s13, $0xB;
	v0 =	vadd.f32 v2, v0  }
0xb3: {  	s19 =	sand.u32 @!p0 $0x3FFFF800, s19  }
0xb4: {  	s20 =	simm.s32 @!p0 $0x80;
	s21 =	simm.s32 @!p0 $0x4000;
	[tilespmem:v1+s18+$0x10 ss:$0x1] =	vst.idx.msk $0xffff, v0;
	s18 =	sadd.s32 @!p0 $0x800, s19  }
0xb5: {  	[tilespmem:s21], [sflag:$0x1] =	stream.indirect.gather @!p0 [hbm4b:s1+s20], $0x10, s18, s20, $0xb8;
	[tilespmem:$0xE000] =	vst v63  }
0xb6: {  	s18 =	sadd.s32 @!p0 $0x880, s19;
	s21 =	simm.s32 @!p0 $0x4800  }
0xb7: {  	[tilespmem:s21], [sflag:$0x1] =	stream.indirect.gather @!p0 [hbm4b:s1+s20], $0x10, s18, s20, $0xb8;
	[tilespmem:$0xE000] =	vst v63  }
0xb8: {  	s18 =	sadd.s32 @!p0 $0x900, s19;
	s21 =	simm.s32 @!p0 $0x5000  }
0xb9: {  	[tilespmem:s21], [sflag:$0x1] =	stream.indirect.gather @!p0 [hbm4b:s1+s20], $0x10, s18, s20, $0xb8;
	[tilespmem:$0xE000] =	vst v63  }
0xba: {  	s18 =	sadd.s32 @!p0 $0x980, s19;
	s21 =	simm.s32 @!p0 $0x5800  }
0xbb: {  	[tilespmem:s21], [sflag:$0x1] =	stream.indirect.gather @!p0 [hbm4b:s1+s20], $0x10, s18, s20, $0xb8;
	[tilespmem:$0xE000] =	vst v63  }
0xbc: {  	s18 =	sadd.s32 @!p0 $0xA00, s19;
	s21 =	simm.s32 @!p0 $0x6000  }
0xbd: {  	[tilespmem:s21], [sflag:$0x1] =	stream.indirect.gather @!p0 [hbm4b:s1+s20], $0x10, s18, s20, $0xb8;
	[tilespmem:$0xE000] =	vst v63  }
0xbe: {  	s18 =	sadd.s32 @!p0 $0xA80, s19;
	s21 =	simm.s32 @!p0 $0x6800  }
0xbf: {  	[tilespmem:s21], [sflag:$0x1] =	stream.indirect.gather @!p0 [hbm4b:s1+s20], $0x10, s18, s20, $0xb8;
	[tilespmem:$0xE000] =	vst v63  }
0xc0: {  	s18 =	sadd.s32 @!p0 $0xB00, s19;
	s21 =	simm.s32 @!p0 $0x7000  }
0xc1: {  	[tilespmem:s21], [sflag:$0x1] =	stream.indirect.gather @!p0 [hbm4b:s1+s20], $0x10, s18, s20, $0xb8;
	[tilespmem:$0xE000] =	vst v63  }
0xc2: {  	v0 =	vmov s17;
	s18 =	sadd.s32 @!p0 $0xB80, s19;
	s19 =	simm.s32 @!p0 $0x7800  }
0xc3: {  	[tilespmem:s19], [sflag:$0x1] =	stream.indirect.gather @!p0 [hbm4b:s1+s20], $0x10, s18, s20, $0xb8;
	[tilespmem:$0xE000] =	vst v63  }
0xc4: {  	_ =	swait.ge [sflag:s8], $0x4000  }
0xc5: {  	[sflag:s8] =	ssyncset.done $0x0  }
0xc6: {  	s18 =	simm.s32 $0x0;
	[sflag:s8] =	ssyncadd.s32 $0xFFFFC000  }
0xc7: {  	s19 =	simm.s32 $0x8100;
	v1 =	vld.idx.msk [tilespmem:v0+s18+$0x0 ss:$0x1], $0xffff  }
0xc8: {  	v3 =	vld [tilespmem:s19+$0xFFFFFFE0]  }
0xc9: {  	v4 =	vld [tilespmem:s19+$0xFFFFFF00]  }
0xca: {  	v5 =	vld [tilespmem:s19+$0xFFFFFF20]  }
0xcb: {  	v6 =	vld [tilespmem:s19+$0xFFFFFFB0]  }
0xcc: {  	v8 =	vld [tilespmem:s19+$0xFFFFFF60];
	v7 =	vbroadcast v1, $0x0;
	v40 =	vbroadcast v1, $0xF  }
0xcd: {  	v43 =	vld [tilespmem:s19+$0xFFFFFFF0];
	v41 =	vbroadcast v1, $0x2;
	v42 =	vbroadcast v1, $0x6  }
0xce: {  	v45 =	vld [tilespmem:s19+$0xFFFFFF10];
	v44 =	vbroadcast v1, $0x7;
	v46 =	vbroadcast v1, $0x4  }
0xcf: {  	v48 =	vld [tilespmem:s19+$0xFFFFFF70];
	v47 =	vbroadcast v1, $0x3;
	v49 =	vbroadcast v1, $0xA  }
0xd0: {  	v50 =	vld [tilespmem:s19+$0xFFFFFF40];
	v51 =	vbroadcast v1, $0xB;
	v52 =	vbroadcast v1, $0x1  }
0xd1: {  	v53 =	vld [tilespmem:s19+$0xFFFFFFA0];
	v54 =	vbroadcast v1, $0x5;
	v57 =	vbroadcast v1, $0xD  }
0xd2: {  	v56 =	vld [tilespmem:s19+$0xFFFFFF50];
	v58 =	vbroadcast v1, $0xC;
	v61 =	vbroadcast v1, $0x9  }
0xd3: {  	v59 =	vld [tilespmem:s19+$0xFFFFFFD0];
	v62 =	vbroadcast v1, $0xE;
	v1 =	vbroadcast v1, $0x8  }
0xd4: {  	v60 =	vld [tilespmem:s19+$0xFFFFFF80];
	v4 =	vmul.f32 v7, v4;
	v5 =	vmul.f32 v5, v41  }
0xd5: {  	v7 =	vld [tilespmem:s19+$0xFFFFFF30];
	v8 =	vmul.f32 v8, v42;
	v9 =	vmul.f32 v43, v40  }
0xd6: {  	v2 =	vld [tilespmem:s19+$0xFFFFFF90];
	v14 =	vmul.f32 v45, v52;
	v13 =	vmul.f32 v48, v44  }
0xd7: {  	v55 =	vld [tilespmem:s19+$0xFFFFFFC0];
	v10 =	vmul.f32 v50, v46;
	v6 =	vmul.f32 v6, v51  }
0xd8: {  	v17 =	vmul.f32 v53, v49;
	v12 =	vmul.f32 v56, v54  }
0xd9: {  	v63 =	vmul.f32 v59, v57;
	v3 =	vmul.f32 v3, v62  }
0xda: {  	v1 =	vmul.f32 v60, v1;
	v7 =	vmul.f32 v7, v47  }
0xdb: {  	v2 =	vmul.f32 v2, v61;
	v4 =	vadd.f32 v14, v4;
	v8 =	vadd.f32 v13, v8  }
0xdc: {  	v6 =	vadd.f32 v6, v17;
	v5 =	vadd.f32 v7, v5;
	v7 =	vmul.f32 v55, v58  }
0xdd: {  	v10 =	vadd.f32 v12, v10;
	v3 =	vadd.f32 v9, v3  }
0xde: {  	v1 =	vadd.f32 v2, v1;
	v7 =	vadd.f32 v63, v7  }
0xdf: {  	v2 =	vadd.f32 v5, v4;
	v4 =	vadd.f32 v8, v10  }
0xe0: {  	v5 =	vadd.f32 v6, v1;
	v3 =	vadd.f32 v3, v7  }
0xe1: {  	v1 =	vmov s16  }
0xe2: {  	v2 =	vadd.f32 v4, v2;
	v3 =	vadd.f32 v3, v5;
	_ =	sdelay $0x1  }
0xe3: {  	v2 =	vadd.f32 v3, v2;
	_ =	sdelay $0x1  }
0xe4: {  	[tilespmem:v1+s18+$0x0 ss:$0x1] =	vst.idx.msk $0xffff, v2  }
0xe5: {  	v4 =	vld.idx.msk [tilespmem:v0+s18+$0x10 ss:$0x1], $0xffff  }
0xe6: {  	v6 =	vld [tilespmem:s19+$0x40]  }
0xe7: {  	v5 =	vld [tilespmem:s19+$0xF0]  }
0xe8: {  	v3 =	vld [tilespmem:s19+$0x30]  }
0xe9: {  	s21 =	simm.s32 $0x8100;
	s20 =	simm.s32 $0x80;
	v2 =	vld [tilespmem:s19+$0xA0]  }
.LBB2_6:
0xea: {  	p0 =	sne.s32 s20, $0xF80  }
0xeb: {  	v7 =	vld [tilespmem:s19+$0x70];
	s21 =	sadd.s32 $0x200, s21;
	s22 =	smov.u32 s20;
	s20 =	sadd.s32 $0x80, s20  }
0xec: {  	v8 =	vbroadcast v4, $0x0;
	v9 =	vbroadcast v4, $0x1;
	v10 =	vld [tilespmem:s19+$0x60]  }
0xed: {  	v12 =	vbroadcast v4, $0x2;
	v13 =	vbroadcast v4, $0xF;
	v11 =	vld [tilespmem:s19+$0x20]  }
0xee: {  	v14 =	vbroadcast v4, $0x4;
	v15 =	vbroadcast v4, $0x5;
	v16 =	vld [tilespmem:s19+$0xB0]  }
0xef: {  	v17 =	vbroadcast v4, $0x6;
	v19 =	vbroadcast v4, $0xD;
	v18 =	vld [tilespmem:s19+$0x80]  }
0xf0: {  	v20 =	vbroadcast v4, $0xA;
	v6 =	vmul.f32 v6, v14;
	v14 =	vld [tilespmem:s19+$0x90]  }
0xf1: {  	v21 =	vbroadcast v4, $0x3;
	v10 =	vmul.f32 v10, v17;
	v17 =	vld [tilespmem:s19+$0xC0]  }
0xf2: {  	v5 =	vmul.f32 v5, v13;
	v22 =	vld [tilespmem:s19+$0x10];
	v11 =	vmul.f32 v11, v12  }
0xf3: {  	v23 =	vbroadcast v4, $0xB;
	v13 =	vbroadcast v4, $0x9;
	v12 =	vld [tilespmem:s19+$0x50]  }
0xf4: {  	v24 =	vbroadcast v4, $0x7;
	v25 =	vbroadcast v4, $0x8;
	v26 =	vld [tilespmem:s19+$0xD0]  }
0xf5: {  	v27 =	vld [tilespmem:s19+$0x0];
	v13 =	vmul.f32 v14, v13;
	v14 =	vmul.f32 v16, v23  }
0xf6: {  	v7 =	vmul.f32 v7, v24;
	v16 =	vbroadcast v4, $0xC;
	v23 =	vld [tilespmem:s19+$0xE0];
	s19 =	smov.u32 s21  }
0xf7: {  	v18 =	vmul.f32 v18, v25;
	v4 =	vbroadcast v4, $0xE  }
0xf8: {  	v7 =	vadd.f32 v7, v10;
	v12 =	vmul.f32 v12, v15;
	v15 =	vmul.f32 v17, v16  }
0xf9: {  	v9 =	vmul.f32 v22, v9;
	v13 =	vadd.f32 v13, v18;
	v10 =	vmul.f32 v26, v19  }
0xfa: {  	v3 =	vmul.f32 v3, v21;
	v8 =	vmul.f32 v8, v27;
	v6 =	vadd.f32 v12, v6  }
0xfb: {  	v2 =	vmul.f32 v2, v20;
	v4 =	vmul.f32 v23, v4;
	v10 =	vadd.f32 v10, v15  }
0xfc: {  	v3 =	vadd.f32 v3, v11;
	v8 =	vadd.f32 v9, v8  }
0xfd: {  	v2 =	vadd.f32 v14, v2;
	v4 =	vadd.f32 v5, v4  }
0xfe: {  	v5 =	vadd.f32 v7, v6;
	v3 =	vadd.f32 v3, v8  }
0xff: {  	v2 =	vadd.f32 v2, v13;
	v4 =	vadd.f32 v4, v10;
	_ =	sdelay $0x1  }
0x100: {  	v3 =	vadd.f32 v5, v3;
	v2 =	vadd.f32 v4, v2;
	_ =	sdelay $0x1  }
0x101: {  	v2 =	vadd.f32 v2, v3;
	_ =	sdelay $0x1  }
0x102: {  	[tilespmem:v1+s18+$0x10 ss:$0x1] =	vst.idx.msk $0xffff, v2;
	s18 =	sshra.s32 s22, $0x2  }
0x103: {  	v2 =	vld.idx.msk [tilespmem:v0+s18+$0x0 ss:$0x1], $0xffff  }
0x104: {  	v3 =	vld [tilespmem:s21+$0xFFFFFF90]  }
0x105: {  	v4 =	vld [tilespmem:s21+$0xFFFFFFE0]  }
0x106: {  	v5 =	vld [tilespmem:s21+$0xFFFFFF00]  }
0x107: {  	v6 =	vld [tilespmem:s21+$0xFFFFFF20]  }
0x108: {  	v7 =	vld [tilespmem:s21+$0xFFFFFFB0]  }
0x109: {  	v8 =	vbroadcast v2, $0x0;
	v10 =	vbroadcast v2, $0xF;
	v9 =	vld [tilespmem:s21+$0xFFFFFF60]  }
0x10a: {  	v11 =	vbroadcast v2, $0x2;
	v12 =	vbroadcast v2, $0x6;
	v13 =	vld [tilespmem:s21+$0xFFFFFFF0]  }
0x10b: {  	v14 =	vbroadcast v2, $0x7;
	v5 =	vmul.f32 v8, v5;
	v8 =	vld [tilespmem:s21+$0xFFFFFF30]  }
0x10c: {  	v15 =	vld [tilespmem:s21+$0xFFFFFF10];
	v6 =	vmul.f32 v6, v11;
	v11 =	vbroadcast v2, $0x4  }
0x10d: {  	v16 =	vbroadcast v2, $0x3;
	v18 =	vbroadcast v2, $0xA;
	v17 =	vld [tilespmem:s21+$0xFFFFFF70]  }
0x10e: {  	v19 =	vld [tilespmem:s21+$0xFFFFFF40];
	v9 =	vmul.f32 v9, v12;
	v12 =	vbroadcast v2, $0xB  }
0x10f: {  	v20 =	vbroadcast v2, $0x1;
	v21 =	vld [tilespmem:s21+$0xFFFFFFA0];
	v10 =	vmul.f32 v13, v10  }
0x110: {  	v13 =	vbroadcast v2, $0x5;
	v8 =	vmul.f32 v8, v16;
	v16 =	vld [tilespmem:s21+$0xFFFFFFC0]  }
0x111: {  	v22 =	vbroadcast v2, $0xD;
	v15 =	vmul.f32 v15, v20;
	v20 =	vld [tilespmem:s21+$0xFFFFFF50]  }
0x112: {  	v14 =	vmul.f32 v17, v14;
	v17 =	vbroadcast v2, $0xC;
	v23 =	vld [tilespmem:s21+$0xFFFFFFD0];
	v6 =	vadd.f32 v8, v6  }
0x113: {  	v7 =	vmul.f32 v7, v12;
	v8 =	vmul.f32 v19, v11;
	v11 =	vld [tilespmem:s21+$0xFFFFFF80];
	v5 =	vadd.f32 v15, v5  }
0x114: {  	v12 =	vbroadcast v2, $0x9;
	v15 =	vmul.f32 v21, v18;
	v9 =	vadd.f32 v14, v9  }
0x115: {  	v14 =	vmul.f32 v16, v17;
	v16 =	vbroadcast v2, $0xE;
	v5 =	vadd.f32 v6, v5  }
0x116: {  	v2 =	vbroadcast v2, $0x8;
	v6 =	vmul.f32 v20, v13;
	v7 =	vadd.f32 v7, v15  }
0x117: {  	v13 =	vmul.f32 v23, v22;
	v4 =	vmul.f32 v4, v16  }
0x118: {  	v3 =	vmul.f32 v3, v12;
	v2 =	vmul.f32 v11, v2;
	v6 =	vadd.f32 v6, v8  }
0x119: {  	v8 =	vadd.f32 v13, v14;
	v4 =	vadd.f32 v10, v4  }
0x11a: {  	v2 =	vadd.f32 v3, v2;
	v3 =	vadd.f32 v9, v6  }
0x11b: {  	v4 =	vadd.f32 v4, v8  }
0x11c: {  	v2 =	vadd.f32 v7, v2;
	v3 =	vadd.f32 v3, v5;
	_ =	sdelay $0x1  }
0x11d: {  	v2 =	vadd.f32 v4, v2;
	_ =	sdelay $0x1  }
0x11e: {  	v2 =	vadd.f32 v2, v3;
	_ =	sdelay $0x1  }
0x11f: {  	[tilespmem:v1+s18+$0x0 ss:$0x1] =	vst.idx.msk $0xffff, v2  }
.Ltmp1:
0x120: {  	v4 =	vld.idx.msk [tilespmem:v0+s18+$0x10 ss:$0x1], $0xffff;
	(pc) =	sbr.rel @p0 .LBB2_6-.Ltmp1, $4  }
0x121: {  	v6 =	vld [tilespmem:s21+$0x40]  }
0x122: {  	v5 =	vld [tilespmem:s21+$0xF0]  }
0x123: {  	v3 =	vld [tilespmem:s21+$0x30]  }
0x124: {  	v2 =	vld [tilespmem:s21+$0xA0]  }
0x125: {  	v0 =	vld [tilespmem:s19+$0x70];
	v7 =	vbroadcast v4, $0x0;
	v8 =	vbroadcast v4, $0x1  }
0x126: {  	v9 =	vld [tilespmem:s19+$0x60];
	v11 =	vbroadcast v4, $0x2;
	v12 =	vbroadcast v4, $0xF  }
0x127: {  	v10 =	vld [tilespmem:s19+$0x20];
	v13 =	vbroadcast v4, $0x4;
	v14 =	vbroadcast v4, $0x5  }
0x128: {  	v15 =	vld [tilespmem:s19+$0xB0];
	v16 =	vbroadcast v4, $0x6;
	v18 =	vbroadcast v4, $0xD  }
0x129: {  	v17 =	vld [tilespmem:s19+$0x80];
	v19 =	vbroadcast v4, $0xA;
	v20 =	vbroadcast v4, $0x3  }
0x12a: {  	v54 =	vld [tilespmem:s19+$0x90];
	v57 =	vbroadcast v4, $0x9;
	v22 =	vbroadcast v4, $0xB  }
0x12b: {  	v55 =	vld [tilespmem:s19+$0xC0];
	v23 =	vbroadcast v4, $0x7;
	v24 =	vbroadcast v4, $0x8  }
0x12c: {  	v21 =	vld [tilespmem:s19+$0x10];
	v59 =	vbroadcast v4, $0xC;
	v61 =	vbroadcast v4, $0xE  }
0x12d: {  	v56 =	vld [tilespmem:s19+$0x50];
	v6 =	vmul.f32 v6, v13;
	v5 =	vmul.f32 v5, v12  }
0x12e: {  	v25 =	vld [tilespmem:s19+$0xD0];
	v3 =	vmul.f32 v3, v20;
	v2 =	vmul.f32 v2, v19  }
0x12f: {  	v26 =	vld [tilespmem:s19+$0x0];
	v9 =	vmul.f32 v9, v16;
	v10 =	vmul.f32 v10, v11  }
0x130: {  	v60 =	vld [tilespmem:s19+$0xE0];
	v12 =	vmul.f32 v54, v57;
	v58 =	vmul.f32 v15, v22  }
0x131: {  	v0 =	vmul.f32 v0, v23;
	v17 =	vmul.f32 v17, v24  }
0x132: {  	v11 =	vmul.f32 v56, v14;
	v62 =	vmul.f32 v55, v59  }
0x133: {  	v8 =	vmul.f32 v21, v8;
	v63 =	vmul.f32 v25, v18  }
0x134: {  	v7 =	vmul.f32 v7, v26;
	v0 =	vadd.f32 v0, v9;
	v12 =	vadd.f32 v12, v17  }
0x135: {  	v4 =	vmul.f32 v60, v61;
	v6 =	vadd.f32 v11, v6;
	v9 =	vadd.f32 v63, v62  }
0x136: {  	v7 =	vadd.f32 v8, v7;
	v3 =	vadd.f32 v3, v10  }
0x137: {  	v2 =	vadd.f32 v58, v2;
	v4 =	vadd.f32 v5, v4  }
0x138: {  	v3 =	vadd.f32 v3, v7;
	v0 =	vadd.f32 v0, v6  }
0x139: {  	s13 =	sadd.s32 $0x1, s13;
	v2 =	vadd.f32 v2, v12;
	v4 =	vadd.f32 v4, v9  }
0x13a: {  	p0 =	sne.s32 s13, $0x4  }
.Ltmp2:
0x13b: {  	v0 =	vadd.f32 v0, v3;
	v2 =	vadd.f32 v4, v2;
	(pc) =	sbr.rel @p0 .LBB2_3-.Ltmp2, $4  }
0x13c: {  	_ = 	snop  }
0x13d: {  	v0 =	vadd.f32 v2, v0  }
0x13e: {  	s15 =	sadd.s32 $0x800, s15  }
0x13f: {  	s14 =	sadd.s32 $0x800, s14;
	s16 =	sadd.s32 $0x800, s16;
	s17 =	sadd.s32 $0x800, s17;
	[tilespmem:v1+s18+$0x10 ss:$0x1] =	vst.idx.msk $0xffff, v0  }
0x140: {  	s11 =	sadd.s32 $0x1, s11  }
0x141: {  	p0 =	sne.s32 s11, $0xC  }
.Ltmp3:
0x142: {  	s12 =	sadd.s32 s6, s12;
	s13 =	simm.s32 $0x0;
	(pc) =	sbr.rel @p0 .LBB2_2-.Ltmp3, $4  }
0x143: {  	[hbm4b:s12+s13] =	stream.linear.scatter [tilespmem:s2], [sflag:$0x2], $0x2000, $0x38;
	[tilespmem:$0xE000] =	vst v63  }
0x144: {  	_ =	swait.ge [sflag:s9], $0x2000  }
0x145: {  	[sflag:s9] =	ssyncset.done $0x0  }
0x146: {  	[sflag:s9] =	ssyncadd.s32 $0xFFFFE000  }
0x147: {  	s12 =	rddreg [dreg:$0x4]  }
0x148: {  	s11 =	rddreg [dreg:$0x3];
	s12 =	sadd.s32 $0x1, s12  }
0x149: {  	p0 =	sne.s32 s12, s11  }
.Ltmp4:
0x14a: {  	_ = 	snop;
	(pc) =	sbr.rel @p0 .LBB2_1-.Ltmp4, $1  }
0x14b: {  	_ =	sdelay $0x3  }
0x14c: {  	_ =	sfence.sel $0x180000  }
0x14d: {  	[bflag:$0x0] =	sbarrier.arrive $0xFFFF  }
0x14e: {  	_ =	strace $0x90000047  }
0x14f: {  	s0 =	stileid.u32;
	[bflag:$0x2] =	sbarrier.arrive $0xFFFF  }
0x150: {  	p0 =	sne.s32 s0, $0x0;
	s0 =	rddreg [dreg:$0x2]  }
0x151: {  	s0 =	sadd.s32 @!p0 $0x100000, s0  }
0x152: {  	[sflag:s0] =	ssyncadd.tile.s32 @!p0 $0x1;
	_ =	shalt  }
.Lfunc_end2:
_tile_overlayer_lowered:
.L_overlay_start_2:
0x153: {  	(tag) =	ssettag $0x2  }
0x154: {  	s0 =	rddreg [dreg:$0x0];
	s2 =	stileid.u32  }
0x155: {  	s1 =	rddreg [dreg:$0x1];
	p0 =	sne.s32 s2, $0x0  }
0x156: {  	s3 =	rddreg [dreg:$0x2];
	[bflag:$0x3] =	sbarrier.arrive $0xFFFF;
	s2 =	simm.s32 @!p0 $0x1C02  }
0x157: {  	[timem:s3], [sflag:s2] =	dma.local @!p0 [hbm:s0], s1  }
0x158: {  	s0 =	simm.s32 @!p0 $0x2  }
0x159: {  	_ =	swait.ge @!p0 [sflag:s0], s1  }
0x15a: {  	s1 =	ssub.s32 @!p0 $0x0, s1;
	[sflag:s0] =	ssyncset.done @!p0 $0x0  }
0x15b: {  	[sflag:s0] =	ssyncadd.s32 @!p0 s1  }
0x15c: {  	[bflag:$0x3] =	sbarrier.arrive $0xFFFF  }
0x15d: {  	_ =	shalt  }

</sc_bundles>
